<compile_context>
chip_gen: v7x
topology: tpu7x:2x2x1
jax: 0.10.2.dev20260603
libtpu: 0.0.44.dev20260713+nightly
codegen_flags: <defaults>
</compile_context>

<pallas_src>
import jax
import jax.numpy as jnp
from jax import lax
from jax.experimental import pallas as pl
from jax.experimental.pallas import tpu as pltpu
from jax.experimental.pallas import tpu_sc as plsc

V = 1000
VP = 1024
B, T = 1024, 50
N = B * T
NC, NS, L = 2, 16, 16
NW = NC * NS
BPW = B // NW
CH = T
CHP = 56
NG = BPW // 2
IDXW = BPW * CHP


def _lse_body(table_ref, out_ref):
    t = table_ref[...]
    m = jnp.max(t, axis=1)
    s = jnp.sum(jnp.exp(t - m[:, None]), axis=1)
    out_ref[...] = m + jnp.log(s)


def _row_lse(table):
    return pl.pallas_call(
        _lse_body,
        out_shape=jax.ShapeDtypeStruct((V,), jnp.float32),
    )(table)


def _loss_chunk(rows_v, idx_v, tgt_v, lse_v, off, acc):
    for i in range(0, CH - L + 1, L):
        row_ids = lax.iota(jnp.int32, L) + i
        idx16 = idx_v[pl.ds(off + i, L)]
        tgt16 = tgt_v[pl.ds(off + i, L)]
        lse16 = plsc.load_gather(lse_v, [idx16])
        x16 = plsc.load_gather(rows_v, [row_ids, tgt16])
        acc = acc + (lse16 - x16)
    rem = CH % L
    if rem:
        i = CH - rem
        lanes = lax.iota(jnp.int32, L)
        msk = lanes < rem
        row_ids = jnp.minimum(lanes + i, CH - 1)
        idx16 = idx_v[pl.ds(off + i, L)]
        tgt16 = tgt_v[pl.ds(off + i, L)]
        lse16 = plsc.load_gather(lse_v, [jnp.where(msk, idx16, 0)])
        x16 = plsc.load_gather(rows_v, [row_ids, jnp.where(msk, tgt16, 0)])
        acc = acc + jnp.where(msk, lse16 - x16, 0.0)
    return acc


def _sc_body(idx_hbm, tgt_hbm, table_hbm, lse_hbm, out_hbm, part_hbm,
             idx_v, tgt_v, lse_v, rows_a, rows_b, acc_v,
             gsem_a, gsem_b, ssem_a, ssem_b):
    wid = lax.axis_index("s") * NC + lax.axis_index("c")
    base = wid * IDXW
    bb = wid * BPW
    pltpu.sync_copy(idx_hbm.at[pl.ds(base, IDXW)], idx_v.at[pl.ds(0, IDXW)])
    pltpu.sync_copy(tgt_hbm.at[pl.ds(base, IDXW)], tgt_v.at[pl.ds(0, IDXW)])
    pltpu.sync_copy(lse_hbm, lse_v)

    def gather(c, buf, sem):
        pltpu.async_copy(table_hbm.at[idx_v.at[pl.ds(c * CHP, CH)]], buf, sem)

    def scatter(c, buf, sem):
        pltpu.async_copy(buf, out_hbm.at[bb + c], sem)

    def gather_wait(buf, sem):
        pltpu.make_async_copy(table_hbm.at[idx_v.at[pl.ds(0, CH)]], buf,
                              sem).wait()

    def scatter_wait(buf, sem):
        pltpu.make_async_copy(buf, out_hbm.at[bb], sem).wait()

    gather(0, rows_a, gsem_a)
    gather(1, rows_b, gsem_b)

    def group(g, acc):
        a = 2 * g
        gather_wait(rows_a, gsem_a)
        scatter(a, rows_a, ssem_a)
        acc = _loss_chunk(rows_a, idx_v, tgt_v, lse_v, a * CHP, acc)
        gather_wait(rows_b, gsem_b)
        scatter(a + 1, rows_b, ssem_b)
        acc = _loss_chunk(rows_b, idx_v, tgt_v, lse_v, (a + 1) * CHP, acc)
        scatter_wait(rows_a, ssem_a)
        gather(a + 2, rows_a, gsem_a)
        scatter_wait(rows_b, ssem_b)
        gather(a + 3, rows_b, gsem_b)
        return acc

    acc = lax.fori_loop(0, NG - 1, group, jnp.zeros((L,), jnp.float32))

    a = 2 * (NG - 1)
    gather_wait(rows_a, gsem_a)
    scatter(a, rows_a, ssem_a)
    acc = _loss_chunk(rows_a, idx_v, tgt_v, lse_v, a * CHP, acc)
    gather_wait(rows_b, gsem_b)
    scatter(a + 1, rows_b, ssem_b)
    acc = _loss_chunk(rows_b, idx_v, tgt_v, lse_v, (a + 1) * CHP, acc)
    scatter_wait(rows_a, ssem_a)
    scatter_wait(rows_b, ssem_b)

    acc_v[...] = acc
    pltpu.sync_copy(acc_v, part_hbm.at[wid])


def _sc_gather(idx_p, tgt_p, table, lse):
    mesh = plsc.VectorSubcoreMesh(core_axis_name="c", subcore_axis_name="s",
                                  num_cores=NC, num_subcores=NS)
    f = pl.kernel(
        _sc_body,
        out_type=(jax.ShapeDtypeStruct((B, T, V), jnp.float32),
                  jax.ShapeDtypeStruct((NW, L), jnp.float32)),
        mesh=mesh,
        scratch_types=[
            pltpu.VMEM((IDXW + L,), jnp.int32),
            pltpu.VMEM((IDXW + L,), jnp.int32),
            pltpu.VMEM((V,), jnp.float32),
            pltpu.VMEM((CH, V), jnp.float32),
            pltpu.VMEM((CH, V), jnp.float32),
            pltpu.VMEM((L,), jnp.float32),
            pltpu.SemaphoreType.DMA,
            pltpu.SemaphoreType.DMA,
            pltpu.SemaphoreType.DMA,
            pltpu.SemaphoreType.DMA,
        ],
        compiler_params=pltpu.CompilerParams(needs_layout_passes=False,
                                             use_tc_tiling_on_sc=False),
    )
    return f(idx_p, tgt_p, table, lse)


def kernel(idx, targets, table):
    pad = ((0, 0), (0, CHP - T))
    idx_p = jnp.pad(idx.astype(jnp.int32), pad).reshape(-1)
    tgt_p = jnp.pad(targets.astype(jnp.int32), pad).reshape(-1)
    lse = _row_lse(table)
    logits, parts = _sc_gather(idx_p, tgt_p, table, lse)
    loss = parts.sum() / jnp.float32(N)
    return (logits, loss)

# --- scband reference (transcript-rebuilt; emitter-appended) ---
"""Pipeline reference for scband-bigram-language-model-42812234007036 (READ-ONLY COPY).

The authoritative reference and input builder live on the scoring server;
editing this copy changes nothing except your own understanding.
"""

import jax, jax.numpy as jnp
import numpy as np

VOCAB = 1000
B, T = 1024, 50

def _softmax(x):
    exp_x = jnp.exp(x - jnp.max(x, axis=-1, keepdims=True))
    return exp_x / jnp.sum(exp_x, axis=-1, keepdims=True)

def setup_inputs(seed: int = 0) -> dict:
    key = jax.random.key(seed)
    k1, k2, k3 = jax.random.split(key, 3)
    idx = jax.random.randint(k1, (B, T), 0, VOCAB, dtype=jnp.int64 if jax.config.jax_enable_x64 else jnp.int32)
    targets = jax.random.randint(k2, (B, T), 0, VOCAB, dtype=jnp.int64 if jax.config.jax_enable_x64 else jnp.int32)
    limit = 1.0 / np.sqrt(VOCAB)
    table = (jax.random.uniform(k3, (VOCAB, VOCAB), dtype=jnp.float32) * 2.0 - 1.0) * limit
    return {"idx": idx, "targets": targets, "table": table}

def reference(idx, targets, table):
    # logits = embedding_param[idx]
    logits = jnp.take(table, idx, axis=0)  # (B, T, V)
    # calculate_cross_entropy(targets, logits)
    b, t, v = logits.shape
    y_hat = logits.reshape(b * t, v)
    y_flat = targets.reshape(-1)
    y_hot = jnp.eye(v, dtype=jnp.float32)[y_flat]  # one-hot via eye gather, faithful to torch
    probs = _softmax(y_hat)
    logp = jnp.log(probs)
    loss = jnp.mean(-jnp.sum(y_hot * logp, axis=1))
    return (logits, loss)

if __name__ == "__main__":
    import jax
    _d = setup_inputs()
    print(jax.jit(kernel)(*tuple(_d.values())))

</pallas_src>

<mosaic_0001>
#map = affine_map<(d0, d1) -> (0)>
#map1 = affine_map<(d0, d1) -> (0, 0)>
#map2 = affine_map<(d0, d1) -> (0, 0, 0)>
module attributes {stable_mosaic.version = 14 : i64} {
  func.func @_sc_body(%arg0: i32, %arg1: i32, %arg2: memref<57344xi32, #tpu.memory_space<hbm>>, %arg3: memref<57344xi32, #tpu.memory_space<hbm>>, %arg4: memref<1000x1000xf32, #tpu.memory_space<hbm>>, %arg5: memref<1000xf32, #tpu.memory_space<hbm>>, %arg6: memref<1024x50x1000xf32, #tpu.memory_space<hbm>>, %arg7: memref<32x16xf32, #tpu.memory_space<hbm>>, %arg8: memref<1808xi32, #tpu.memory_space<vmem>>, %arg9: memref<1808xi32, #tpu.memory_space<vmem>>, %arg10: memref<1000xf32, #tpu.memory_space<vmem>>, %arg11: memref<50x1000xf32, #tpu.memory_space<vmem>>, %arg12: memref<50x1000xf32, #tpu.memory_space<vmem>>, %arg13: memref<16xf32, #tpu.memory_space<vmem>>, %arg14: memref<!tpu.dma_semaphore, #tpu.memory_space<semaphore_mem>>, %arg15: memref<!tpu.dma_semaphore, #tpu.memory_space<semaphore_mem>>, %arg16: memref<!tpu.dma_semaphore, #tpu.memory_space<semaphore_mem>>, %arg17: memref<!tpu.dma_semaphore, #tpu.memory_space<semaphore_mem>>) attributes {dimension_semantics = [#tpu.dimension_semantics<core_parallel>, #tpu.dimension_semantics<subcore_parallel>], iteration_bounds = array<i64: 2, 16>, scalar_prefetch = 0 : i64, scratch_operands = 10 : i64, tpu.core_type = #tpu.core_type<sc_vector_subcore>, window_params = [{transform_indices = #map}, {transform_indices = #map}, {transform_indices = #map1}, {transform_indices = #map}, {transform_indices = #map2}, {transform_indices = #map1}]} {
    %mul3A = arith.constant 2 : i32
    %mul3A_0 = arith.muli %arg1, %mul3A : i32
    %add3A = arith.addi %mul3A_0, %arg0 : i32
    %mul3A_1 = arith.constant 1792 : i32
    %mul3A_2 = arith.muli %add3A, %mul3A_1 : i32
    %mul3A_3 = arith.constant 32 : i32
    %mul3A_4 = arith.muli %add3A, %mul3A_3 : i32
    "tpu.region"() ({
      %run_scoped3A = tpu.sem_alloc : memref<!tpu.dma_semaphore, #tpu.memory_space<semaphore_mem>>
      %dma_start3A_184 = arith.constant 0 : i32
      %dma_start3A_185 = tpu.memref_slice %arg8[%dma_start3A_184] : memref<1808xi32, #tpu.memory_space<vmem>> -> memref<1792xi32, #tpu.memory_space<vmem>>
      %dma_start3A_186 = tpu.memref_slice %arg2[%mul3A_2] : memref<57344xi32, #tpu.memory_space<hbm>> -> memref<1792xi32, #tpu.memory_space<hbm>>
      %dma_start3A_187 = arith.constant 0 : i32
      %dma_start3A_188 = tpu.memref_slice %arg8[%dma_start3A_187] : memref<1808xi32, #tpu.memory_space<vmem>> -> memref<1792xi32, #tpu.memory_space<vmem>>
      %dma_start3A_189 = tpu.memref_slice %arg2[%mul3A_2] : memref<57344xi32, #tpu.memory_space<hbm>> -> memref<1792xi32, #tpu.memory_space<hbm>>
      tpu.enqueue_dma source(%dma_start3A_189 : memref<1792xi32, #tpu.memory_space<hbm>>) target(%dma_start3A_188 : memref<1792xi32, #tpu.memory_space<vmem>>) target_semaphore(%run_scoped3A : memref<!tpu.dma_semaphore, #tpu.memory_space<semaphore_mem>>)
      %dma_wait3A_190 = arith.constant 0 : i32
      %dma_wait3A_191 = tpu.memref_slice %arg8[%dma_wait3A_190] : memref<1808xi32, #tpu.memory_space<vmem>> -> memref<1792xi32, #tpu.memory_space<vmem>>
      %dma_wait3A_192 = tpu.memref_slice %arg2[%mul3A_2] : memref<57344xi32, #tpu.memory_space<hbm>> -> memref<1792xi32, #tpu.memory_space<hbm>>
      %dma_wait3A_193 = arith.constant 0 : i32
      %dma_wait3A_194 = tpu.memref_slice %arg8[%dma_wait3A_193] : memref<1808xi32, #tpu.memory_space<vmem>> -> memref<1792xi32, #tpu.memory_space<vmem>>
      %dma_wait3A_195 = tpu.memref_slice %arg2[%mul3A_2] : memref<57344xi32, #tpu.memory_space<hbm>> -> memref<1792xi32, #tpu.memory_space<hbm>>
      tpu.wait_dma2 semaphore(%run_scoped3A : memref<!tpu.dma_semaphore, #tpu.memory_space<semaphore_mem>>) src(%dma_wait3A_195 : memref<1792xi32, #tpu.memory_space<hbm>>) dst(%dma_wait3A_194 : memref<1792xi32, #tpu.memory_space<vmem>>)
      tpu.yield
    }) : () -> ()
    "tpu.region"() ({
      %run_scoped3A = tpu.sem_alloc : memref<!tpu.dma_semaphore, #tpu.memory_space<semaphore_mem>>
      %dma_start3A_184 = arith.constant 0 : i32
      %dma_start3A_185 = tpu.memref_slice %arg9[%dma_start3A_184] : memref<1808xi32, #tpu.memory_space<vmem>> -> memref<1792xi32, #tpu.memory_space<vmem>>
      %dma_start3A_186 = tpu.memref_slice %arg3[%mul3A_2] : memref<57344xi32, #tpu.memory_space<hbm>> -> memref<1792xi32, #tpu.memory_space<hbm>>
      %dma_start3A_187 = arith.constant 0 : i32
      %dma_start3A_188 = tpu.memref_slice %arg9[%dma_start3A_187] : memref<1808xi32, #tpu.memory_space<vmem>> -> memref<1792xi32, #tpu.memory_space<vmem>>
      %dma_start3A_189 = tpu.memref_slice %arg3[%mul3A_2] : memref<57344xi32, #tpu.memory_space<hbm>> -> memref<1792xi32, #tpu.memory_space<hbm>>
      tpu.enqueue_dma source(%dma_start3A_189 : memref<1792xi32, #tpu.memory_space<hbm>>) target(%dma_start3A_188 : memref<1792xi32, #tpu.memory_space<vmem>>) target_semaphore(%run_scoped3A : memref<!tpu.dma_semaphore, #tpu.memory_space<semaphore_mem>>)
      %dma_wait3A_190 = arith.constant 0 : i32
      %dma_wait3A_191 = tpu.memref_slice %arg9[%dma_wait3A_190] : memref<1808xi32, #tpu.memory_space<vmem>> -> memref<1792xi32, #tpu.memory_space<vmem>>
      %dma_wait3A_192 = tpu.memref_slice %arg3[%mul3A_2] : memref<57344xi32, #tpu.memory_space<hbm>> -> memref<1792xi32, #tpu.memory_space<hbm>>
      %dma_wait3A_193 = arith.constant 0 : i32
      %dma_wait3A_194 = tpu.memref_slice %arg9[%dma_wait3A_193] : memref<1808xi32, #tpu.memory_space<vmem>> -> memref<1792xi32, #tpu.memory_space<vmem>>
      %dma_wait3A_195 = tpu.memref_slice %arg3[%mul3A_2] : memref<57344xi32, #tpu.memory_space<hbm>> -> memref<1792xi32, #tpu.memory_space<hbm>>
      tpu.wait_dma2 semaphore(%run_scoped3A : memref<!tpu.dma_semaphore, #tpu.memory_space<semaphore_mem>>) src(%dma_wait3A_195 : memref<1792xi32, #tpu.memory_space<hbm>>) dst(%dma_wait3A_194 : memref<1792xi32, #tpu.memory_space<vmem>>)
      tpu.yield
    }) : () -> ()
    "tpu.region"() ({
      %run_scoped3A = tpu.sem_alloc : memref<!tpu.dma_semaphore, #tpu.memory_space<semaphore_mem>>
      tpu.enqueue_dma source(%arg5 : memref<1000xf32, #tpu.memory_space<hbm>>) target(%arg10 : memref<1000xf32, #tpu.memory_space<vmem>>) target_semaphore(%run_scoped3A : memref<!tpu.dma_semaphore, #tpu.memory_space<semaphore_mem>>)
      tpu.wait_dma2 semaphore(%run_scoped3A : memref<!tpu.dma_semaphore, #tpu.memory_space<semaphore_mem>>) src(%arg5 : memref<1000xf32, #tpu.memory_space<hbm>>) dst(%arg10 : memref<1000xf32, #tpu.memory_space<vmem>>)
      tpu.yield
    }) : () -> ()
    %dma_start3A = arith.constant 0 : i32
    %dma_start3A_5 = tpu.memref_slice %arg8[%dma_start3A] : memref<1808xi32, #tpu.memory_space<vmem>> -> memref<50xi32, #tpu.memory_space<vmem>>
    %dma_start3A_6 = arith.constant 0 : i32
    %dma_start3A_7 = arith.constant 0 : i32
    %dma_start3A_8 = tpu.memref_slice %arg4[%dma_start3A_6, %dma_start3A_7] : memref<1000x1000xf32, #tpu.memory_space<hbm>> -> memref<1000x1000xf32, #tpu.memory_space<hbm>>
    tpu.enqueue_indirect_dma source(%dma_start3A_8 : memref<1000x1000xf32, #tpu.memory_space<hbm>>) target(%arg11 : memref<50x1000xf32, #tpu.memory_space<vmem>>) offsets(%dma_start3A_5 : memref<50xi32, #tpu.memory_space<vmem>>) semaphore(%arg14 : memref<!tpu.dma_semaphore, #tpu.memory_space<semaphore_mem>>)
    %dma_start3A_9 = arith.constant 56 : i32
    %dma_start3A_10 = tpu.memref_slice %arg8[%dma_start3A_9] : memref<1808xi32, #tpu.memory_space<vmem>> -> memref<50xi32, #tpu.memory_space<vmem>>
    %dma_start3A_11 = arith.constant 0 : i32
    %dma_start3A_12 = arith.constant 0 : i32
    %dma_start3A_13 = tpu.memref_slice %arg4[%dma_start3A_11, %dma_start3A_12] : memref<1000x1000xf32, #tpu.memory_space<hbm>> -> memref<1000x1000xf32, #tpu.memory_space<hbm>>
    tpu.enqueue_indirect_dma source(%dma_start3A_13 : memref<1000x1000xf32, #tpu.memory_space<hbm>>) target(%arg12 : memref<50x1000xf32, #tpu.memory_space<vmem>>) offsets(%dma_start3A_10 : memref<50xi32, #tpu.memory_space<vmem>>) semaphore(%arg15 : memref<!tpu.dma_semaphore, #tpu.memory_space<semaphore_mem>>)
    %broadcast_in_dim3A = arith.constant 0.000000e+00 : f32
    %broadcast_in_dim3A_14 = vector.broadcast %broadcast_in_dim3A : f32 to vector<16xf32>
    %scan3A = arith.constant 0 : i32
    %scan3A_15 = arith.constant 15 : i32
    %scan3A_16 = arith.addi %scan3A, %scan3A_15 : i32
    %scan3A_17 = arith.constant 1 : i32
    %scan3A_18 = scf.for %scan3A_184 = %scan3A to %scan3A_16 step %scan3A_17 iter_args(%scan3A_185 = %broadcast_in_dim3A_14) -> (vector<16xf32>)  : i32 {
      %mul3A_186 = arith.constant 2 : i32
      %mul3A_187 = arith.muli %mul3A_186, %scan3A_184 : i32
      %dma_wait3A_188 = arith.constant 0 : i32
      %dma_wait3A_189 = tpu.memref_slice %arg8[%dma_wait3A_188] : memref<1808xi32, #tpu.memory_space<vmem>> -> memref<50xi32, #tpu.memory_space<vmem>>
      %dma_wait3A_190 = arith.constant 0 : i32
      %dma_wait3A_191 = arith.constant 0 : i32
      %dma_wait3A_192 = tpu.memref_slice %arg4[%dma_wait3A_190, %dma_wait3A_191] : memref<1000x1000xf32, #tpu.memory_space<hbm>> -> memref<1000x1000xf32, #tpu.memory_space<hbm>>
      tpu.wait_indirect_dma semaphore(%arg14 : memref<!tpu.dma_semaphore, #tpu.memory_space<semaphore_mem>>) src(%dma_wait3A_192 : memref<1000x1000xf32, #tpu.memory_space<hbm>>) dst(%arg11 : memref<50x1000xf32, #tpu.memory_space<vmem>>)
      %add3A_193 = arith.addi %mul3A_4, %mul3A_187 : i32
      %dma_start3A_194 = arith.constant 0 : i32
      %dma_start3A_195 = arith.constant 0 : i32
      %dma_start3A_196 = tpu.memref_slice %arg6[%add3A_193, %dma_start3A_194, %dma_start3A_195] : memref<1024x50x1000xf32, #tpu.memory_space<hbm>> -> memref<1x50x1000xf32, #tpu.memory_space<hbm>>
      %dma_start3A_197 = tpu.memref_squeeze %dma_start3A_196 : memref<1x50x1000xf32, #tpu.memory_space<hbm>> -> memref<50x1000xf32, #tpu.memory_space<hbm>>
      %dma_start3A_198 = arith.constant 0 : i32
      %dma_start3A_199 = arith.constant 0 : i32
      %dma_start3A_200 = tpu.memref_slice %arg6[%add3A_193, %dma_start3A_198, %dma_start3A_199] : memref<1024x50x1000xf32, #tpu.memory_space<hbm>> -> memref<1x50x1000xf32, #tpu.memory_space<hbm>>
      %dma_start3A_201 = tpu.memref_squeeze %dma_start3A_200 : memref<1x50x1000xf32, #tpu.memory_space<hbm>> -> memref<50x1000xf32, #tpu.memory_space<hbm>>
      tpu.enqueue_dma source(%arg11 : memref<50x1000xf32, #tpu.memory_space<vmem>>) target(%dma_start3A_201 : memref<50x1000xf32, #tpu.memory_space<hbm>>) target_semaphore(%arg16 : memref<!tpu.dma_semaphore, #tpu.memory_space<semaphore_mem>>)
      %mul3A_202 = arith.constant 56 : i32
      %mul3A_203 = arith.muli %mul3A_187, %mul3A_202 : i32
      %iota3A_204 = tpu.iota {dimensions = array<i32: 0>} : vector<16xi32>
      %add3A_205 = arith.constant 0 : i32
      %add3A_206 = vector.broadcast %add3A_205 : i32 to vector<16xi32>
      %add3A_207 = arith.addi %iota3A_204, %add3A_206 : vector<16xi32>
      %add3A_208 = arith.constant 0 : i32
      %add3A_209 = arith.addi %mul3A_203, %add3A_208 : i32
      %get3A_210 = arith.index_cast %add3A_209 : i32 to index
      %get3A_211 = tpu.vector_load %arg8[%get3A_210] {strides = array<i32>} : memref<1808xi32, #tpu.memory_space<vmem>>, vector<16xi32>,
      %add3A_212 = arith.constant 0 : i32
      %add3A_213 = arith.addi %mul3A_203, %add3A_212 : i32
      %get3A_214 = arith.index_cast %add3A_213 : i32 to index
      %get3A_215 = tpu.vector_load %arg9[%get3A_214] {strides = array<i32>} : memref<1808xi32, #tpu.memory_space<vmem>>, vector<16xi32>,
      %gather3A_216 = tpu.vector_load_idx %arg10[%get3A_211] : memref<1000xf32, #tpu.memory_space<vmem>>[vector<16xi32>], vector<16xf32>,
      %gather3A_217 = tpu.vector_load_idx %arg11[%add3A_207, %get3A_215] : memref<50x1000xf32, #tpu.memory_space<vmem>>[vector<16xi32>, vector<16xi32>], vector<16xf32>,
      %sub3A_218 = arith.subf %gather3A_216, %gather3A_217 : vector<16xf32>
      %add3A_219 = arith.addf %scan3A_185, %sub3A_218 : vector<16xf32>
      %iota3A_220 = tpu.iota {dimensions = array<i32: 0>} : vector<16xi32>
      %add3A_221 = arith.constant 16 : i32
      %add3A_222 = vector.broadcast %add3A_221 : i32 to vector<16xi32>
      %add3A_223 = arith.addi %iota3A_220, %add3A_222 : vector<16xi32>
      %add3A_224 = arith.constant 16 : i32
      %add3A_225 = arith.addi %mul3A_203, %add3A_224 : i32
      %get3A_226 = arith.index_cast %add3A_225 : i32 to index
      %get3A_227 = tpu.vector_load %arg8[%get3A_226] {strides = array<i32>} : memref<1808xi32, #tpu.memory_space<vmem>>, vector<16xi32>,
      %add3A_228 = arith.constant 16 : i32
      %add3A_229 = arith.addi %mul3A_203, %add3A_228 : i32
      %get3A_230 = arith.index_cast %add3A_229 : i32 to index
      %get3A_231 = tpu.vector_load %arg9[%get3A_230] {strides = array<i32>} : memref<1808xi32, #tpu.memory_space<vmem>>, vector<16xi32>,
      %gather3A_232 = tpu.vector_load_idx %arg10[%get3A_227] : memref<1000xf32, #tpu.memory_space<vmem>>[vector<16xi32>], vector<16xf32>,
      %gather3A_233 = tpu.vector_load_idx %arg11[%add3A_223, %get3A_231] : memref<50x1000xf32, #tpu.memory_space<vmem>>[vector<16xi32>, vector<16xi32>], vector<16xf32>,
      %sub3A_234 = arith.subf %gather3A_232, %gather3A_233 : vector<16xf32>
      %add3A_235 = arith.addf %add3A_219, %sub3A_234 : vector<16xf32>
      %iota3A_236 = tpu.iota {dimensions = array<i32: 0>} : vector<16xi32>
      %add3A_237 = arith.constant 32 : i32
      %add3A_238 = vector.broadcast %add3A_237 : i32 to vector<16xi32>
      %add3A_239 = arith.addi %iota3A_236, %add3A_238 : vector<16xi32>
      %add3A_240 = arith.constant 32 : i32
      %add3A_241 = arith.addi %mul3A_203, %add3A_240 : i32
      %get3A_242 = arith.index_cast %add3A_241 : i32 to index
      %get3A_243 = tpu.vector_load %arg8[%get3A_242] {strides = array<i32>} : memref<1808xi32, #tpu.memory_space<vmem>>, vector<16xi32>,
      %add3A_244 = arith.constant 32 : i32
      %add3A_245 = arith.addi %mul3A_203, %add3A_244 : i32
      %get3A_246 = arith.index_cast %add3A_245 : i32 to index
      %get3A_247 = tpu.vector_load %arg9[%get3A_246] {strides = array<i32>} : memref<1808xi32, #tpu.memory_space<vmem>>, vector<16xi32>,
      %gather3A_248 = tpu.vector_load_idx %arg10[%get3A_243] : memref<1000xf32, #tpu.memory_space<vmem>>[vector<16xi32>], vector<16xf32>,
      %gather3A_249 = tpu.vector_load_idx %arg11[%add3A_239, %get3A_247] : memref<50x1000xf32, #tpu.memory_space<vmem>>[vector<16xi32>, vector<16xi32>], vector<16xf32>,
      %sub3A_250 = arith.subf %gather3A_248, %gather3A_249 : vector<16xf32>
      %add3A_251 = arith.addf %add3A_235, %sub3A_250 : vector<16xf32>
      %iota3A_252 = tpu.iota {dimensions = array<i32: 0>} : vector<16xi32>
      %lt3A_253 = arith.constant 2 : i32
      %lt3A_254 = vector.broadcast %lt3A_253 : i32 to vector<16xi32>
      %lt3A_255 = arith.cmpi slt, %iota3A_252, %lt3A_254 : vector<16xi32>
      %add3A_256 = arith.constant 48 : i32
      %add3A_257 = vector.broadcast %add3A_256 : i32 to vector<16xi32>
      %add3A_258 = arith.addi %iota3A_252, %add3A_257 : vector<16xi32>
      %min3A_259 = arith.constant 49 : i32
      %min3A_260 = vector.broadcast %min3A_259 : i32 to vector<16xi32>
      %min3A_261 = arith.minsi %add3A_258, %min3A_260 : vector<16xi32>
      %add3A_262 = arith.constant 48 : i32
      %add3A_263 = arith.addi %mul3A_203, %add3A_262 : i32
      %get3A_264 = arith.index_cast %add3A_263 : i32 to index
      %get3A_265 = tpu.vector_load %arg8[%get3A_264] {strides = array<i32>} : memref<1808xi32, #tpu.memory_space<vmem>>, vector<16xi32>,
      %add3A_266 = arith.constant 48 : i32
      %add3A_267 = arith.addi %mul3A_203, %add3A_266 : i32
      %get3A_268 = arith.index_cast %add3A_267 : i32 to index
      %get3A_269 = tpu.vector_load %arg9[%get3A_268] {strides = array<i32>} : memref<1808xi32, #tpu.memory_space<vmem>>, vector<16xi32>,
      %jit3A_270 = arith.constant 0 : i32
      %broadcast_in_dim3A_271 = vector.broadcast %jit3A_270 : i32 to vector<16xi32>
      %select_n3A_272 = arith.select %lt3A_255, %get3A_265, %broadcast_in_dim3A_271 : vector<16xi1>, vector<16xi32>
      %gather3A_273 = tpu.vector_load_idx %arg10[%select_n3A_272] : memref<1000xf32, #tpu.memory_space<vmem>>[vector<16xi32>], vector<16xf32>,
      %jit3A_274 = arith.constant 0 : i32
      %broadcast_in_dim3A_275 = vector.broadcast %jit3A_274 : i32 to vector<16xi32>
      %select_n3A_276 = arith.select %lt3A_255, %get3A_269, %broadcast_in_dim3A_275 : vector<16xi1>, vector<16xi32>
      %gather3A_277 = tpu.vector_load_idx %arg11[%min3A_261, %select_n3A_276] : memref<50x1000xf32, #tpu.memory_space<vmem>>[vector<16xi32>, vector<16xi32>], vector<16xf32>,
      %sub3A_278 = arith.subf %gather3A_273, %gather3A_277 : vector<16xf32>
      %jit3A_279 = arith.constant 0.000000e+00 : f32
      %broadcast_in_dim3A_280 = vector.broadcast %jit3A_279 : f32 to vector<16xf32>
      %select_n3A_281 = arith.select %lt3A_255, %sub3A_278, %broadcast_in_dim3A_280 : vector<16xi1>, vector<16xf32>
      %add3A_282 = arith.addf %add3A_251, %select_n3A_281 : vector<16xf32>
      %dma_wait3A_283 = arith.constant 0 : i32
      %dma_wait3A_284 = tpu.memref_slice %arg8[%dma_wait3A_283] : memref<1808xi32, #tpu.memory_space<vmem>> -> memref<50xi32, #tpu.memory_space<vmem>>
      %dma_wait3A_285 = arith.constant 0 : i32
      %dma_wait3A_286 = arith.constant 0 : i32
      %dma_wait3A_287 = tpu.memref_slice %arg4[%dma_wait3A_285, %dma_wait3A_286] : memref<1000x1000xf32, #tpu.memory_space<hbm>> -> memref<1000x1000xf32, #tpu.memory_space<hbm>>
      tpu.wait_indirect_dma semaphore(%arg15 : memref<!tpu.dma_semaphore, #tpu.memory_space<semaphore_mem>>) src(%dma_wait3A_287 : memref<1000x1000xf32, #tpu.memory_space<hbm>>) dst(%arg12 : memref<50x1000xf32, #tpu.memory_space<vmem>>)
      %add3A_288 = arith.constant 1 : i32
      %add3A_289 = arith.addi %mul3A_187, %add3A_288 : i32
      %add3A_290 = arith.addi %mul3A_4, %add3A_289 : i32
      %dma_start3A_291 = arith.constant 0 : i32
      %dma_start3A_292 = arith.constant 0 : i32
      %dma_start3A_293 = tpu.memref_slice %arg6[%add3A_290, %dma_start3A_291, %dma_start3A_292] : memref<1024x50x1000xf32, #tpu.memory_space<hbm>> -> memref<1x50x1000xf32, #tpu.memory_space<hbm>>
      %dma_start3A_294 = tpu.memref_squeeze %dma_start3A_293 : memref<1x50x1000xf32, #tpu.memory_space<hbm>> -> memref<50x1000xf32, #tpu.memory_space<hbm>>
      %dma_start3A_295 = arith.constant 0 : i32
      %dma_start3A_296 = arith.constant 0 : i32
      %dma_start3A_297 = tpu.memref_slice %arg6[%add3A_290, %dma_start3A_295, %dma_start3A_296] : memref<1024x50x1000xf32, #tpu.memory_space<hbm>> -> memref<1x50x1000xf32, #tpu.memory_space<hbm>>
      %dma_start3A_298 = tpu.memref_squeeze %dma_start3A_297 : memref<1x50x1000xf32, #tpu.memory_space<hbm>> -> memref<50x1000xf32, #tpu.memory_space<hbm>>
      tpu.enqueue_dma source(%arg12 : memref<50x1000xf32, #tpu.memory_space<vmem>>) target(%dma_start3A_298 : memref<50x1000xf32, #tpu.memory_space<hbm>>) target_semaphore(%arg17 : memref<!tpu.dma_semaphore, #tpu.memory_space<semaphore_mem>>)
      %add3A_299 = arith.constant 1 : i32
      %add3A_300 = arith.addi %mul3A_187, %add3A_299 : i32
      %mul3A_301 = arith.constant 56 : i32
      %mul3A_302 = arith.muli %add3A_300, %mul3A_301 : i32
      %iota3A_303 = tpu.iota {dimensions = array<i32: 0>} : vector<16xi32>
      %add3A_304 = arith.constant 0 : i32
      %add3A_305 = vector.broadcast %add3A_304 : i32 to vector<16xi32>
      %add3A_306 = arith.addi %iota3A_303, %add3A_305 : vector<16xi32>
      %add3A_307 = arith.constant 0 : i32
      %add3A_308 = arith.addi %mul3A_302, %add3A_307 : i32
      %get3A_309 = arith.index_cast %add3A_308 : i32 to index
      %get3A_310 = tpu.vector_load %arg8[%get3A_309] {strides = array<i32>} : memref<1808xi32, #tpu.memory_space<vmem>>, vector<16xi32>,
      %add3A_311 = arith.constant 0 : i32
      %add3A_312 = arith.addi %mul3A_302, %add3A_311 : i32
      %get3A_313 = arith.index_cast %add3A_312 : i32 to index
      %get3A_314 = tpu.vector_load %arg9[%get3A_313] {strides = array<i32>} : memref<1808xi32, #tpu.memory_space<vmem>>, vector<16xi32>,
      %gather3A_315 = tpu.vector_load_idx %arg10[%get3A_310] : memref<1000xf32, #tpu.memory_space<vmem>>[vector<16xi32>], vector<16xf32>,
      %gather3A_316 = tpu.vector_load_idx %arg12[%add3A_306, %get3A_314] : memref<50x1000xf32, #tpu.memory_space<vmem>>[vector<16xi32>, vector<16xi32>], vector<16xf32>,
      %sub3A_317 = arith.subf %gather3A_315, %gather3A_316 : vector<16xf32>
      %add3A_318 = arith.addf %add3A_282, %sub3A_317 : vector<16xf32>
      %iota3A_319 = tpu.iota {dimensions = array<i32: 0>} : vector<16xi32>
      %add3A_320 = arith.constant 16 : i32
      %add3A_321 = vector.broadcast %add3A_320 : i32 to vector<16xi32>
      %add3A_322 = arith.addi %iota3A_319, %add3A_321 : vector<16xi32>
      %add3A_323 = arith.constant 16 : i32
      %add3A_324 = arith.addi %mul3A_302, %add3A_323 : i32
      %get3A_325 = arith.index_cast %add3A_324 : i32 to index
      %get3A_326 = tpu.vector_load %arg8[%get3A_325] {strides = array<i32>} : memref<1808xi32, #tpu.memory_space<vmem>>, vector<16xi32>,
      %add3A_327 = arith.constant 16 : i32
      %add3A_328 = arith.addi %mul3A_302, %add3A_327 : i32
      %get3A_329 = arith.index_cast %add3A_328 : i32 to index
      %get3A_330 = tpu.vector_load %arg9[%get3A_329] {strides = array<i32>} : memref<1808xi32, #tpu.memory_space<vmem>>, vector<16xi32>,
      %gather3A_331 = tpu.vector_load_idx %arg10[%get3A_326] : memref<1000xf32, #tpu.memory_space<vmem>>[vector<16xi32>], vector<16xf32>,
      %gather3A_332 = tpu.vector_load_idx %arg12[%add3A_322, %get3A_330] : memref<50x1000xf32, #tpu.memory_space<vmem>>[vector<16xi32>, vector<16xi32>], vector<16xf32>,
      %sub3A_333 = arith.subf %gather3A_331, %gather3A_332 : vector<16xf32>
      %add3A_334 = arith.addf %add3A_318, %sub3A_333 : vector<16xf32>
      %iota3A_335 = tpu.iota {dimensions = array<i32: 0>} : vector<16xi32>
      %add3A_336 = arith.constant 32 : i32
      %add3A_337 = vector.broadcast %add3A_336 : i32 to vector<16xi32>
      %add3A_338 = arith.addi %iota3A_335, %add3A_337 : vector<16xi32>
      %add3A_339 = arith.constant 32 : i32
      %add3A_340 = arith.addi %mul3A_302, %add3A_339 : i32
      %get3A_341 = arith.index_cast %add3A_340 : i32 to index
      %get3A_342 = tpu.vector_load %arg8[%get3A_341] {strides = array<i32>} : memref<1808xi32, #tpu.memory_space<vmem>>, vector<16xi32>,
      %add3A_343 = arith.constant 32 : i32
      %add3A_344 = arith.addi %mul3A_302, %add3A_343 : i32
      %get3A_345 = arith.index_cast %add3A_344 : i32 to index
      %get3A_346 = tpu.vector_load %arg9[%get3A_345] {strides = array<i32>} : memref<1808xi32, #tpu.memory_space<vmem>>, vector<16xi32>,
      %gather3A_347 = tpu.vector_load_idx %arg10[%get3A_342] : memref<1000xf32, #tpu.memory_space<vmem>>[vector<16xi32>], vector<16xf32>,
      %gather3A_348 = tpu.vector_load_idx %arg12[%add3A_338, %get3A_346] : memref<50x1000xf32, #tpu.memory_space<vmem>>[vector<16xi32>, vector<16xi32>], vector<16xf32>,
      %sub3A_349 = arith.subf %gather3A_347, %gather3A_348 : vector<16xf32>
      %add3A_350 = arith.addf %add3A_334, %sub3A_349 : vector<16xf32>
      %iota3A_351 = tpu.iota {dimensions = array<i32: 0>} : vector<16xi32>
      %lt3A_352 = arith.constant 2 : i32
      %lt3A_353 = vector.broadcast %lt3A_352 : i32 to vector<16xi32>
      %lt3A_354 = arith.cmpi slt, %iota3A_351, %lt3A_353 : vector<16xi32>
      %add3A_355 = arith.constant 48 : i32
      %add3A_356 = vector.broadcast %add3A_355 : i32 to vector<16xi32>
      %add3A_357 = arith.addi %iota3A_351, %add3A_356 : vector<16xi32>
      %min3A_358 = arith.constant 49 : i32
      %min3A_359 = vector.broadcast %min3A_358 : i32 to vector<16xi32>
      %min3A_360 = arith.minsi %add3A_357, %min3A_359 : vector<16xi32>
      %add3A_361 = arith.constant 48 : i32
      %add3A_362 = arith.addi %mul3A_302, %add3A_361 : i32
      %get3A_363 = arith.index_cast %add3A_362 : i32 to index
      %get3A_364 = tpu.vector_load %arg8[%get3A_363] {strides = array<i32>} : memref<1808xi32, #tpu.memory_space<vmem>>, vector<16xi32>,
      %add3A_365 = arith.constant 48 : i32
      %add3A_366 = arith.addi %mul3A_302, %add3A_365 : i32
      %get3A_367 = arith.index_cast %add3A_366 : i32 to index
      %get3A_368 = tpu.vector_load %arg9[%get3A_367] {strides = array<i32>} : memref<1808xi32, #tpu.memory_space<vmem>>, vector<16xi32>,
      %jit3A_369 = arith.constant 0 : i32
      %broadcast_in_dim3A_370 = vector.broadcast %jit3A_369 : i32 to vector<16xi32>
      %select_n3A_371 = arith.select %lt3A_354, %get3A_364, %broadcast_in_dim3A_370 : vector<16xi1>, vector<16xi32>
      %gather3A_372 = tpu.vector_load_idx %arg10[%select_n3A_371] : memref<1000xf32, #tpu.memory_space<vmem>>[vector<16xi32>], vector<16xf32>,
      %jit3A_373 = arith.constant 0 : i32
      %broadcast_in_dim3A_374 = vector.broadcast %jit3A_373 : i32 to vector<16xi32>
      %select_n3A_375 = arith.select %lt3A_354, %get3A_368, %broadcast_in_dim3A_374 : vector<16xi1>, vector<16xi32>
      %gather3A_376 = tpu.vector_load_idx %arg12[%min3A_360, %select_n3A_375] : memref<50x1000xf32, #tpu.memory_space<vmem>>[vector<16xi32>, vector<16xi32>], vector<16xf32>,
      %sub3A_377 = arith.subf %gather3A_372, %gather3A_376 : vector<16xf32>
      %jit3A_378 = arith.constant 0.000000e+00 : f32
      %broadcast_in_dim3A_379 = vector.broadcast %jit3A_378 : f32 to vector<16xf32>
      %select_n3A_380 = arith.select %lt3A_354, %sub3A_377, %broadcast_in_dim3A_379 : vector<16xi1>, vector<16xf32>
      %add3A_381 = arith.addf %add3A_350, %select_n3A_380 : vector<16xf32>
      %dma_wait3A_382 = arith.constant 0 : i32
      %dma_wait3A_383 = arith.constant 0 : i32
      %dma_wait3A_384 = tpu.memref_slice %arg6[%mul3A_4, %dma_wait3A_382, %dma_wait3A_383] : memref<1024x50x1000xf32, #tpu.memory_space<hbm>> -> memref<1x50x1000xf32, #tpu.memory_space<hbm>>
      %dma_wait3A_385 = tpu.memref_squeeze %dma_wait3A_384 : memref<1x50x1000xf32, #tpu.memory_space<hbm>> -> memref<50x1000xf32, #tpu.memory_space<hbm>>
      %dma_wait3A_386 = arith.constant 0 : i32
      %dma_wait3A_387 = arith.constant 0 : i32
      %dma_wait3A_388 = tpu.memref_slice %arg6[%mul3A_4, %dma_wait3A_386, %dma_wait3A_387] : memref<1024x50x1000xf32, #tpu.memory_space<hbm>> -> memref<1x50x1000xf32, #tpu.memory_space<hbm>>
      %dma_wait3A_389 = tpu.memref_squeeze %dma_wait3A_388 : memref<1x50x1000xf32, #tpu.memory_space<hbm>> -> memref<50x1000xf32, #tpu.memory_space<hbm>>
      tpu.wait_dma2 semaphore(%arg16 : memref<!tpu.dma_semaphore, #tpu.memory_space<semaphore_mem>>) src(%arg11 : memref<50x1000xf32, #tpu.memory_space<vmem>>) dst(%dma_wait3A_389 : memref<50x1000xf32, #tpu.memory_space<hbm>>)
      %add3A_390 = arith.constant 2 : i32
      %add3A_391 = arith.addi %mul3A_187, %add3A_390 : i32
      %mul3A_392 = arith.constant 56 : i32
      %mul3A_393 = arith.muli %add3A_391, %mul3A_392 : i32
      %dma_start3A_394 = tpu.memref_slice %arg8[%mul3A_393] : memref<1808xi32, #tpu.memory_space<vmem>> -> memref<50xi32, #tpu.memory_space<vmem>>
      %dma_start3A_395 = arith.constant 0 : i32
      %dma_start3A_396 = arith.constant 0 : i32
      %dma_start3A_397 = tpu.memref_slice %arg4[%dma_start3A_395, %dma_start3A_396] : memref<1000x1000xf32, #tpu.memory_space<hbm>> -> memref<1000x1000xf32, #tpu.memory_space<hbm>>
      tpu.enqueue_indirect_dma source(%dma_start3A_397 : memref<1000x1000xf32, #tpu.memory_space<hbm>>) target(%arg11 : memref<50x1000xf32, #tpu.memory_space<vmem>>) offsets(%dma_start3A_394 : memref<50xi32, #tpu.memory_space<vmem>>) semaphore(%arg14 : memref<!tpu.dma_semaphore, #tpu.memory_space<semaphore_mem>>)
      %dma_wait3A_398 = arith.constant 0 : i32
      %dma_wait3A_399 = arith.constant 0 : i32
      %dma_wait3A_400 = tpu.memref_slice %arg6[%mul3A_4, %dma_wait3A_398, %dma_wait3A_399] : memref<1024x50x1000xf32, #tpu.memory_space<hbm>> -> memref<1x50x1000xf32, #tpu.memory_space<hbm>>
      %dma_wait3A_401 = tpu.memref_squeeze %dma_wait3A_400 : memref<1x50x1000xf32, #tpu.memory_space<hbm>> -> memref<50x1000xf32, #tpu.memory_space<hbm>>
      %dma_wait3A_402 = arith.constant 0 : i32
      %dma_wait3A_403 = arith.constant 0 : i32
      %dma_wait3A_404 = tpu.memref_slice %arg6[%mul3A_4, %dma_wait3A_402, %dma_wait3A_403] : memref<1024x50x1000xf32, #tpu.memory_space<hbm>> -> memref<1x50x1000xf32, #tpu.memory_space<hbm>>
      %dma_wait3A_405 = tpu.memref_squeeze %dma_wait3A_404 : memref<1x50x1000xf32, #tpu.memory_space<hbm>> -> memref<50x1000xf32, #tpu.memory_space<hbm>>
      tpu.wait_dma2 semaphore(%arg17 : memref<!tpu.dma_semaphore, #tpu.memory_space<semaphore_mem>>) src(%arg12 : memref<50x1000xf32, #tpu.memory_space<vmem>>) dst(%dma_wait3A_405 : memref<50x1000xf32, #tpu.memory_space<hbm>>)
      %add3A_406 = arith.constant 3 : i32
      %add3A_407 = arith.addi %mul3A_187, %add3A_406 : i32
      %mul3A_408 = arith.constant 56 : i32
      %mul3A_409 = arith.muli %add3A_407, %mul3A_408 : i32
      %dma_start3A_410 = tpu.memref_slice %arg8[%mul3A_409] : memref<1808xi32, #tpu.memory_space<vmem>> -> memref<50xi32, #tpu.memory_space<vmem>>
      %dma_start3A_411 = arith.constant 0 : i32
      %dma_start3A_412 = arith.constant 0 : i32
      %dma_start3A_413 = tpu.memref_slice %arg4[%dma_start3A_411, %dma_start3A_412] : memref<1000x1000xf32, #tpu.memory_space<hbm>> -> memref<1000x1000xf32, #tpu.memory_space<hbm>>
      tpu.enqueue_indirect_dma source(%dma_start3A_413 : memref<1000x1000xf32, #tpu.memory_space<hbm>>) target(%arg12 : memref<50x1000xf32, #tpu.memory_space<vmem>>) offsets(%dma_start3A_410 : memref<50xi32, #tpu.memory_space<vmem>>) semaphore(%arg15 : memref<!tpu.dma_semaphore, #tpu.memory_space<semaphore_mem>>)
      scf.yield %add3A_381 : vector<16xf32>
    }
    %scan3A_19 = arith.constant 15 : i32
    %dma_wait3A = arith.constant 0 : i32
    %dma_wait3A_20 = tpu.memref_slice %arg8[%dma_wait3A] : memref<1808xi32, #tpu.memory_space<vmem>> -> memref<50xi32, #tpu.memory_space<vmem>>
    %dma_wait3A_21 = arith.constant 0 : i32
    %dma_wait3A_22 = arith.constant 0 : i32
    %dma_wait3A_23 = tpu.memref_slice %arg4[%dma_wait3A_21, %dma_wait3A_22] : memref<1000x1000xf32, #tpu.memory_space<hbm>> -> memref<1000x1000xf32, #tpu.memory_space<hbm>>
    tpu.wait_indirect_dma semaphore(%arg14 : memref<!tpu.dma_semaphore, #tpu.memory_space<semaphore_mem>>) src(%dma_wait3A_23 : memref<1000x1000xf32, #tpu.memory_space<hbm>>) dst(%arg11 : memref<50x1000xf32, #tpu.memory_space<vmem>>)
    %add3A_24 = arith.constant 30 : i32
    %add3A_25 = arith.addi %mul3A_4, %add3A_24 : i32
    %dma_start3A_26 = arith.constant 0 : i32
    %dma_start3A_27 = arith.constant 0 : i32
    %dma_start3A_28 = tpu.memref_slice %arg6[%add3A_25, %dma_start3A_26, %dma_start3A_27] : memref<1024x50x1000xf32, #tpu.memory_space<hbm>> -> memref<1x50x1000xf32, #tpu.memory_space<hbm>>
    %dma_start3A_29 = tpu.memref_squeeze %dma_start3A_28 : memref<1x50x1000xf32, #tpu.memory_space<hbm>> -> memref<50x1000xf32, #tpu.memory_space<hbm>>
    %dma_start3A_30 = arith.constant 0 : i32
    %dma_start3A_31 = arith.constant 0 : i32
    %dma_start3A_32 = tpu.memref_slice %arg6[%add3A_25, %dma_start3A_30, %dma_start3A_31] : memref<1024x50x1000xf32, #tpu.memory_space<hbm>> -> memref<1x50x1000xf32, #tpu.memory_space<hbm>>
    %dma_start3A_33 = tpu.memref_squeeze %dma_start3A_32 : memref<1x50x1000xf32, #tpu.memory_space<hbm>> -> memref<50x1000xf32, #tpu.memory_space<hbm>>
    tpu.enqueue_dma source(%arg11 : memref<50x1000xf32, #tpu.memory_space<vmem>>) target(%dma_start3A_33 : memref<50x1000xf32, #tpu.memory_space<hbm>>) target_semaphore(%arg16 : memref<!tpu.dma_semaphore, #tpu.memory_space<semaphore_mem>>)
    %iota3A = tpu.iota {dimensions = array<i32: 0>} : vector<16xi32>
    %add3A_34 = arith.constant 0 : i32
    %add3A_35 = vector.broadcast %add3A_34 : i32 to vector<16xi32>
    %add3A_36 = arith.addi %iota3A, %add3A_35 : vector<16xi32>
    %get3A = arith.constant 1680 : index
    %get3A_37 = tpu.vector_load %arg8[%get3A] {strides = array<i32>} : memref<1808xi32, #tpu.memory_space<vmem>>, vector<16xi32>,
    %get3A_38 = arith.constant 1680 : index
    %get3A_39 = tpu.vector_load %arg9[%get3A_38] {strides = array<i32>} : memref<1808xi32, #tpu.memory_space<vmem>>, vector<16xi32>,
    %gather3A = tpu.vector_load_idx %arg10[%get3A_37] : memref<1000xf32, #tpu.memory_space<vmem>>[vector<16xi32>], vector<16xf32>,
    %gather3A_40 = tpu.vector_load_idx %arg11[%add3A_36, %get3A_39] : memref<50x1000xf32, #tpu.memory_space<vmem>>[vector<16xi32>, vector<16xi32>], vector<16xf32>,
    %sub3A = arith.subf %gather3A, %gather3A_40 : vector<16xf32>
    %add3A_41 = arith.addf %scan3A_18, %sub3A : vector<16xf32>
    %iota3A_42 = tpu.iota {dimensions = array<i32: 0>} : vector<16xi32>
    %add3A_43 = arith.constant 16 : i32
    %add3A_44 = vector.broadcast %add3A_43 : i32 to vector<16xi32>
    %add3A_45 = arith.addi %iota3A_42, %add3A_44 : vector<16xi32>
    %get3A_46 = arith.constant 1696 : index
    %get3A_47 = tpu.vector_load %arg8[%get3A_46] {strides = array<i32>} : memref<1808xi32, #tpu.memory_space<vmem>>, vector<16xi32>,
    %get3A_48 = arith.constant 1696 : index
    %get3A_49 = tpu.vector_load %arg9[%get3A_48] {strides = array<i32>} : memref<1808xi32, #tpu.memory_space<vmem>>, vector<16xi32>,
    %gather3A_50 = tpu.vector_load_idx %arg10[%get3A_47] : memref<1000xf32, #tpu.memory_space<vmem>>[vector<16xi32>], vector<16xf32>,
    %gather3A_51 = tpu.vector_load_idx %arg11[%add3A_45, %get3A_49] : memref<50x1000xf32, #tpu.memory_space<vmem>>[vector<16xi32>, vector<16xi32>], vector<16xf32>,
    %sub3A_52 = arith.subf %gather3A_50, %gather3A_51 : vector<16xf32>
    %add3A_53 = arith.addf %add3A_41, %sub3A_52 : vector<16xf32>
    %iota3A_54 = tpu.iota {dimensions = array<i32: 0>} : vector<16xi32>
    %add3A_55 = arith.constant 32 : i32
    %add3A_56 = vector.broadcast %add3A_55 : i32 to vector<16xi32>
    %add3A_57 = arith.addi %iota3A_54, %add3A_56 : vector<16xi32>
    %get3A_58 = arith.constant 1712 : index
    %get3A_59 = tpu.vector_load %arg8[%get3A_58] {strides = array<i32>} : memref<1808xi32, #tpu.memory_space<vmem>>, vector<16xi32>,
    %get3A_60 = arith.constant 1712 : index
    %get3A_61 = tpu.vector_load %arg9[%get3A_60] {strides = array<i32>} : memref<1808xi32, #tpu.memory_space<vmem>>, vector<16xi32>,
    %gather3A_62 = tpu.vector_load_idx %arg10[%get3A_59] : memref<1000xf32, #tpu.memory_space<vmem>>[vector<16xi32>], vector<16xf32>,
    %gather3A_63 = tpu.vector_load_idx %arg11[%add3A_57, %get3A_61] : memref<50x1000xf32, #tpu.memory_space<vmem>>[vector<16xi32>, vector<16xi32>], vector<16xf32>,
    %sub3A_64 = arith.subf %gather3A_62, %gather3A_63 : vector<16xf32>
    %add3A_65 = arith.addf %add3A_53, %sub3A_64 : vector<16xf32>
    %iota3A_66 = tpu.iota {dimensions = array<i32: 0>} : vector<16xi32>
    %lt3A = arith.constant 2 : i32
    %lt3A_67 = vector.broadcast %lt3A : i32 to vector<16xi32>
    %lt3A_68 = arith.cmpi slt, %iota3A_66, %lt3A_67 : vector<16xi32>
    %add3A_69 = arith.constant 48 : i32
    %add3A_70 = vector.broadcast %add3A_69 : i32 to vector<16xi32>
    %add3A_71 = arith.addi %iota3A_66, %add3A_70 : vector<16xi32>
    %min3A = arith.constant 49 : i32
    %min3A_72 = vector.broadcast %min3A : i32 to vector<16xi32>
    %min3A_73 = arith.minsi %add3A_71, %min3A_72 : vector<16xi32>
    %get3A_74 = arith.constant 1728 : index
    %get3A_75 = tpu.vector_load %arg8[%get3A_74] {strides = array<i32>} : memref<1808xi32, #tpu.memory_space<vmem>>, vector<16xi32>,
    %get3A_76 = arith.constant 1728 : index
    %get3A_77 = tpu.vector_load %arg9[%get3A_76] {strides = array<i32>} : memref<1808xi32, #tpu.memory_space<vmem>>, vector<16xi32>,
    %jit3A = arith.constant 0 : i32
    %broadcast_in_dim3A_78 = vector.broadcast %jit3A : i32 to vector<16xi32>
    %select_n3A = arith.select %lt3A_68, %get3A_75, %broadcast_in_dim3A_78 : vector<16xi1>, vector<16xi32>
    %gather3A_79 = tpu.vector_load_idx %arg10[%select_n3A] : memref<1000xf32, #tpu.memory_space<vmem>>[vector<16xi32>], vector<16xf32>,
    %jit3A_80 = arith.constant 0 : i32
    %broadcast_in_dim3A_81 = vector.broadcast %jit3A_80 : i32 to vector<16xi32>
    %select_n3A_82 = arith.select %lt3A_68, %get3A_77, %broadcast_in_dim3A_81 : vector<16xi1>, vector<16xi32>
    %gather3A_83 = tpu.vector_load_idx %arg11[%min3A_73, %select_n3A_82] : memref<50x1000xf32, #tpu.memory_space<vmem>>[vector<16xi32>, vector<16xi32>], vector<16xf32>,
    %sub3A_84 = arith.subf %gather3A_79, %gather3A_83 : vector<16xf32>
    %jit3A_85 = arith.constant 0.000000e+00 : f32
    %broadcast_in_dim3A_86 = vector.broadcast %jit3A_85 : f32 to vector<16xf32>
    %select_n3A_87 = arith.select %lt3A_68, %sub3A_84, %broadcast_in_dim3A_86 : vector<16xi1>, vector<16xf32>
    %add3A_88 = arith.addf %add3A_65, %select_n3A_87 : vector<16xf32>
    %dma_wait3A_89 = arith.constant 0 : i32
    %dma_wait3A_90 = tpu.memref_slice %arg8[%dma_wait3A_89] : memref<1808xi32, #tpu.memory_space<vmem>> -> memref<50xi32, #tpu.memory_space<vmem>>
    %dma_wait3A_91 = arith.constant 0 : i32
    %dma_wait3A_92 = arith.constant 0 : i32
    %dma_wait3A_93 = tpu.memref_slice %arg4[%dma_wait3A_91, %dma_wait3A_92] : memref<1000x1000xf32, #tpu.memory_space<hbm>> -> memref<1000x1000xf32, #tpu.memory_space<hbm>>
    tpu.wait_indirect_dma semaphore(%arg15 : memref<!tpu.dma_semaphore, #tpu.memory_space<semaphore_mem>>) src(%dma_wait3A_93 : memref<1000x1000xf32, #tpu.memory_space<hbm>>) dst(%arg12 : memref<50x1000xf32, #tpu.memory_space<vmem>>)
    %add3A_94 = arith.constant 31 : i32
    %add3A_95 = arith.addi %mul3A_4, %add3A_94 : i32
    %dma_start3A_96 = arith.constant 0 : i32
    %dma_start3A_97 = arith.constant 0 : i32
    %dma_start3A_98 = tpu.memref_slice %arg6[%add3A_95, %dma_start3A_96, %dma_start3A_97] : memref<1024x50x1000xf32, #tpu.memory_space<hbm>> -> memref<1x50x1000xf32, #tpu.memory_space<hbm>>
    %dma_start3A_99 = tpu.memref_squeeze %dma_start3A_98 : memref<1x50x1000xf32, #tpu.memory_space<hbm>> -> memref<50x1000xf32, #tpu.memory_space<hbm>>
    %dma_start3A_100 = arith.constant 0 : i32
    %dma_start3A_101 = arith.constant 0 : i32
    %dma_start3A_102 = tpu.memref_slice %arg6[%add3A_95, %dma_start3A_100, %dma_start3A_101] : memref<1024x50x1000xf32, #tpu.memory_space<hbm>> -> memref<1x50x1000xf32, #tpu.memory_space<hbm>>
    %dma_start3A_103 = tpu.memref_squeeze %dma_start3A_102 : memref<1x50x1000xf32, #tpu.memory_space<hbm>> -> memref<50x1000xf32, #tpu.memory_space<hbm>>
    tpu.enqueue_dma source(%arg12 : memref<50x1000xf32, #tpu.memory_space<vmem>>) target(%dma_start3A_103 : memref<50x1000xf32, #tpu.memory_space<hbm>>) target_semaphore(%arg17 : memref<!tpu.dma_semaphore, #tpu.memory_space<semaphore_mem>>)
    %iota3A_104 = tpu.iota {dimensions = array<i32: 0>} : vector<16xi32>
    %add3A_105 = arith.constant 0 : i32
    %add3A_106 = vector.broadcast %add3A_105 : i32 to vector<16xi32>
    %add3A_107 = arith.addi %iota3A_104, %add3A_106 : vector<16xi32>
    %get3A_108 = arith.constant 1736 : index
    %get3A_109 = tpu.vector_load %arg8[%get3A_108] {strides = array<i32>} : memref<1808xi32, #tpu.memory_space<vmem>>, vector<16xi32>,
    %get3A_110 = arith.constant 1736 : index
    %get3A_111 = tpu.vector_load %arg9[%get3A_110] {strides = array<i32>} : memref<1808xi32, #tpu.memory_space<vmem>>, vector<16xi32>,
    %gather3A_112 = tpu.vector_load_idx %arg10[%get3A_109] : memref<1000xf32, #tpu.memory_space<vmem>>[vector<16xi32>], vector<16xf32>,
    %gather3A_113 = tpu.vector_load_idx %arg12[%add3A_107, %get3A_111] : memref<50x1000xf32, #tpu.memory_space<vmem>>[vector<16xi32>, vector<16xi32>], vector<16xf32>,
    %sub3A_114 = arith.subf %gather3A_112, %gather3A_113 : vector<16xf32>
    %add3A_115 = arith.addf %add3A_88, %sub3A_114 : vector<16xf32>
    %iota3A_116 = tpu.iota {dimensions = array<i32: 0>} : vector<16xi32>
    %add3A_117 = arith.constant 16 : i32
    %add3A_118 = vector.broadcast %add3A_117 : i32 to vector<16xi32>
    %add3A_119 = arith.addi %iota3A_116, %add3A_118 : vector<16xi32>
    %get3A_120 = arith.constant 1752 : index
    %get3A_121 = tpu.vector_load %arg8[%get3A_120] {strides = array<i32>} : memref<1808xi32, #tpu.memory_space<vmem>>, vector<16xi32>,
    %get3A_122 = arith.constant 1752 : index
    %get3A_123 = tpu.vector_load %arg9[%get3A_122] {strides = array<i32>} : memref<1808xi32, #tpu.memory_space<vmem>>, vector<16xi32>,
    %gather3A_124 = tpu.vector_load_idx %arg10[%get3A_121] : memref<1000xf32, #tpu.memory_space<vmem>>[vector<16xi32>], vector<16xf32>,
    %gather3A_125 = tpu.vector_load_idx %arg12[%add3A_119, %get3A_123] : memref<50x1000xf32, #tpu.memory_space<vmem>>[vector<16xi32>, vector<16xi32>], vector<16xf32>,
    %sub3A_126 = arith.subf %gather3A_124, %gather3A_125 : vector<16xf32>
    %add3A_127 = arith.addf %add3A_115, %sub3A_126 : vector<16xf32>
    %iota3A_128 = tpu.iota {dimensions = array<i32: 0>} : vector<16xi32>
    %add3A_129 = arith.constant 32 : i32
    %add3A_130 = vector.broadcast %add3A_129 : i32 to vector<16xi32>
    %add3A_131 = arith.addi %iota3A_128, %add3A_130 : vector<16xi32>
    %get3A_132 = arith.constant 1768 : index
    %get3A_133 = tpu.vector_load %arg8[%get3A_132] {strides = array<i32>} : memref<1808xi32, #tpu.memory_space<vmem>>, vector<16xi32>,
    %get3A_134 = arith.constant 1768 : index
    %get3A_135 = tpu.vector_load %arg9[%get3A_134] {strides = array<i32>} : memref<1808xi32, #tpu.memory_space<vmem>>, vector<16xi32>,
    %gather3A_136 = tpu.vector_load_idx %arg10[%get3A_133] : memref<1000xf32, #tpu.memory_space<vmem>>[vector<16xi32>], vector<16xf32>,
    %gather3A_137 = tpu.vector_load_idx %arg12[%add3A_131, %get3A_135] : memref<50x1000xf32, #tpu.memory_space<vmem>>[vector<16xi32>, vector<16xi32>], vector<16xf32>,
    %sub3A_138 = arith.subf %gather3A_136, %gather3A_137 : vector<16xf32>
    %add3A_139 = arith.addf %add3A_127, %sub3A_138 : vector<16xf32>
    %iota3A_140 = tpu.iota {dimensions = array<i32: 0>} : vector<16xi32>
    %lt3A_141 = arith.constant 2 : i32
    %lt3A_142 = vector.broadcast %lt3A_141 : i32 to vector<16xi32>
    %lt3A_143 = arith.cmpi slt, %iota3A_140, %lt3A_142 : vector<16xi32>
    %add3A_144 = arith.constant 48 : i32
    %add3A_145 = vector.broadcast %add3A_144 : i32 to vector<16xi32>
    %add3A_146 = arith.addi %iota3A_140, %add3A_145 : vector<16xi32>
    %min3A_147 = arith.constant 49 : i32
    %min3A_148 = vector.broadcast %min3A_147 : i32 to vector<16xi32>
    %min3A_149 = arith.minsi %add3A_146, %min3A_148 : vector<16xi32>
    %get3A_150 = arith.constant 1784 : index
    %get3A_151 = tpu.vector_load %arg8[%get3A_150] {strides = array<i32>} : memref<1808xi32, #tpu.memory_space<vmem>>, vector<16xi32>,
    %get3A_152 = arith.constant 1784 : index
    %get3A_153 = tpu.vector_load %arg9[%get3A_152] {strides = array<i32>} : memref<1808xi32, #tpu.memory_space<vmem>>, vector<16xi32>,
    %jit3A_154 = arith.constant 0 : i32
    %broadcast_in_dim3A_155 = vector.broadcast %jit3A_154 : i32 to vector<16xi32>
    %select_n3A_156 = arith.select %lt3A_143, %get3A_151, %broadcast_in_dim3A_155 : vector<16xi1>, vector<16xi32>
    %gather3A_157 = tpu.vector_load_idx %arg10[%select_n3A_156] : memref<1000xf32, #tpu.memory_space<vmem>>[vector<16xi32>], vector<16xf32>,
    %jit3A_158 = arith.constant 0 : i32
    %broadcast_in_dim3A_159 = vector.broadcast %jit3A_158 : i32 to vector<16xi32>
    %select_n3A_160 = arith.select %lt3A_143, %get3A_153, %broadcast_in_dim3A_159 : vector<16xi1>, vector<16xi32>
    %gather3A_161 = tpu.vector_load_idx %arg12[%min3A_149, %select_n3A_160] : memref<50x1000xf32, #tpu.memory_space<vmem>>[vector<16xi32>, vector<16xi32>], vector<16xf32>,
    %sub3A_162 = arith.subf %gather3A_157, %gather3A_161 : vector<16xf32>
    %jit3A_163 = arith.constant 0.000000e+00 : f32
    %broadcast_in_dim3A_164 = vector.broadcast %jit3A_163 : f32 to vector<16xf32>
    %select_n3A_165 = arith.select %lt3A_143, %sub3A_162, %broadcast_in_dim3A_164 : vector<16xi1>, vector<16xf32>
    %add3A_166 = arith.addf %add3A_139, %select_n3A_165 : vector<16xf32>
    %dma_wait3A_167 = arith.constant 0 : i32
    %dma_wait3A_168 = arith.constant 0 : i32
    %dma_wait3A_169 = tpu.memref_slice %arg6[%mul3A_4, %dma_wait3A_167, %dma_wait3A_168] : memref<1024x50x1000xf32, #tpu.memory_space<hbm>> -> memref<1x50x1000xf32, #tpu.memory_space<hbm>>
    %dma_wait3A_170 = tpu.memref_squeeze %dma_wait3A_169 : memref<1x50x1000xf32, #tpu.memory_space<hbm>> -> memref<50x1000xf32, #tpu.memory_space<hbm>>
    %dma_wait3A_171 = arith.constant 0 : i32
    %dma_wait3A_172 = arith.constant 0 : i32
    %dma_wait3A_173 = tpu.memref_slice %arg6[%mul3A_4, %dma_wait3A_171, %dma_wait3A_172] : memref<1024x50x1000xf32, #tpu.memory_space<hbm>> -> memref<1x50x1000xf32, #tpu.memory_space<hbm>>
    %dma_wait3A_174 = tpu.memref_squeeze %dma_wait3A_173 : memref<1x50x1000xf32, #tpu.memory_space<hbm>> -> memref<50x1000xf32, #tpu.memory_space<hbm>>
    tpu.wait_dma2 semaphore(%arg16 : memref<!tpu.dma_semaphore, #tpu.memory_space<semaphore_mem>>) src(%arg11 : memref<50x1000xf32, #tpu.memory_space<vmem>>) dst(%dma_wait3A_174 : memref<50x1000xf32, #tpu.memory_space<hbm>>)
    %dma_wait3A_175 = arith.constant 0 : i32
    %dma_wait3A_176 = arith.constant 0 : i32
    %dma_wait3A_177 = tpu.memref_slice %arg6[%mul3A_4, %dma_wait3A_175, %dma_wait3A_176] : memref<1024x50x1000xf32, #tpu.memory_space<hbm>> -> memref<1x50x1000xf32, #tpu.memory_space<hbm>>
    %dma_wait3A_178 = tpu.memref_squeeze %dma_wait3A_177 : memref<1x50x1000xf32, #tpu.memory_space<hbm>> -> memref<50x1000xf32, #tpu.memory_space<hbm>>
    %dma_wait3A_179 = arith.constant 0 : i32
    %dma_wait3A_180 = arith.constant 0 : i32
    %dma_wait3A_181 = tpu.memref_slice %arg6[%mul3A_4, %dma_wait3A_179, %dma_wait3A_180] : memref<1024x50x1000xf32, #tpu.memory_space<hbm>> -> memref<1x50x1000xf32, #tpu.memory_space<hbm>>
    %dma_wait3A_182 = tpu.memref_squeeze %dma_wait3A_181 : memref<1x50x1000xf32, #tpu.memory_space<hbm>> -> memref<50x1000xf32, #tpu.memory_space<hbm>>
    tpu.wait_dma2 semaphore(%arg17 : memref<!tpu.dma_semaphore, #tpu.memory_space<semaphore_mem>>) src(%arg12 : memref<50x1000xf32, #tpu.memory_space<vmem>>) dst(%dma_wait3A_182 : memref<50x1000xf32, #tpu.memory_space<hbm>>)
    %swap3A = arith.constant 0 : index
    %swap3A_183 = tpu.vector_load %arg13[%swap3A] {strides = array<i32>} : memref<16xf32, #tpu.memory_space<vmem>>, vector<16xf32>,
    tpu.vector_store %arg13[%swap3A], %add3A_166 {strides = array<i32>} : memref<16xf32, #tpu.memory_space<vmem>>, vector<16xf32>,
    "tpu.region"() ({
      %run_scoped3A = tpu.sem_alloc : memref<!tpu.dma_semaphore, #tpu.memory_space<semaphore_mem>>
      %dma_start3A_184 = arith.constant 0 : i32
      %dma_start3A_185 = tpu.memref_slice %arg7[%add3A, %dma_start3A_184] : memref<32x16xf32, #tpu.memory_space<hbm>> -> memref<1x16xf32, #tpu.memory_space<hbm>>
      %dma_start3A_186 = tpu.memref_squeeze %dma_start3A_185 : memref<1x16xf32, #tpu.memory_space<hbm>> -> memref<16xf32, #tpu.memory_space<hbm>>
      %dma_start3A_187 = arith.constant 0 : i32
      %dma_start3A_188 = tpu.memref_slice %arg7[%add3A, %dma_start3A_187] : memref<32x16xf32, #tpu.memory_space<hbm>> -> memref<1x16xf32, #tpu.memory_space<hbm>>
      %dma_start3A_189 = tpu.memref_squeeze %dma_start3A_188 : memref<1x16xf32, #tpu.memory_space<hbm>> -> memref<16xf32, #tpu.memory_space<hbm>>
      tpu.enqueue_dma source(%arg13 : memref<16xf32, #tpu.memory_space<vmem>>) target(%dma_start3A_189 : memref<16xf32, #tpu.memory_space<hbm>>) target_semaphore(%run_scoped3A : memref<!tpu.dma_semaphore, #tpu.memory_space<semaphore_mem>>)
      %dma_wait3A_190 = arith.constant 0 : i32
      %dma_wait3A_191 = tpu.memref_slice %arg7[%add3A, %dma_wait3A_190] : memref<32x16xf32, #tpu.memory_space<hbm>> -> memref<1x16xf32, #tpu.memory_space<hbm>>
      %dma_wait3A_192 = tpu.memref_squeeze %dma_wait3A_191 : memref<1x16xf32, #tpu.memory_space<hbm>> -> memref<16xf32, #tpu.memory_space<hbm>>
      %dma_wait3A_193 = arith.constant 0 : i32
      %dma_wait3A_194 = tpu.memref_slice %arg7[%add3A, %dma_wait3A_193] : memref<32x16xf32, #tpu.memory_space<hbm>> -> memref<1x16xf32, #tpu.memory_space<hbm>>
      %dma_wait3A_195 = tpu.memref_squeeze %dma_wait3A_194 : memref<1x16xf32, #tpu.memory_space<hbm>> -> memref<16xf32, #tpu.memory_space<hbm>>
      tpu.wait_dma2 semaphore(%run_scoped3A : memref<!tpu.dma_semaphore, #tpu.memory_space<semaphore_mem>>) src(%arg13 : memref<16xf32, #tpu.memory_space<vmem>>) dst(%dma_wait3A_195 : memref<16xf32, #tpu.memory_space<hbm>>)
      tpu.yield
    }) : () -> ()
    return
  }
}

module attributes {stable_mosaic.version = 14 : i64} {
  func.func @_lse_body(%arg0: memref<1000x1000xf32, #tpu.memory_space<vmem>>, %arg1: memref<1000xf32, #tpu.memory_space<vmem>>) attributes {dimension_semantics = [], scalar_prefetch = 0 : i64, scratch_operands = 0 : i64, tpu.core_type = #tpu.core_type<tc>} {
    %get3A = arith.constant 0 : index
    %get3A_0 = arith.constant 0 : index
    %get3A_1 = vector.load %arg0[%get3A, %get3A_0] : memref<1000x1000xf32, #tpu.memory_space<vmem>>, vector<1000x1000xf32>
    %reduce_max3A = arith.constant dense<0xFF800000> : vector<1000xf32>
    %reduce_max3A_2 = vector.multi_reduction <maximumf>, %get3A_1, %reduce_max3A [1] : vector<1000x1000xf32> to vector<1000xf32>
    %broadcast_in_dim3A = vector.shape_cast %reduce_max3A_2 : vector<1000xf32> to vector<1000x1xf32>
    %sub3A = vector.broadcast %broadcast_in_dim3A : vector<1000x1xf32> to vector<1000x1000xf32>
    %sub3A_3 = arith.subf %get3A_1, %sub3A : vector<1000x1000xf32>
    %exp3A = math.exp %sub3A_3 : vector<1000x1000xf32>
    %reduce_sum3A = arith.constant dense<0.000000e+00> : vector<1000xf32>
    %reduce_sum3A_4 = vector.multi_reduction <add>, %exp3A, %reduce_sum3A [1] : vector<1000x1000xf32> to vector<1000xf32>
    %log3A = math.log %reduce_sum3A_4 : vector<1000xf32>
    %add3A = arith.addf %reduce_max3A_2, %log3A : vector<1000xf32>
    %swap3A = arith.constant 0 : index
    %swap3A_5 = vector.load %arg1[%swap3A] : memref<1000xf32, #tpu.memory_space<vmem>>, vector<1000xf32>
    tpu.vector_store %arg1[%swap3A], %add3A {strides = array<i32>} : memref<1000xf32, #tpu.memory_space<vmem>>, vector<1000xf32>,
    return
  }
}

</mosaic_0001>

<sc_bundles>
// kernel: kernel.4.cloned.1.call-start
scs
__scs_entry_jumppad:
0x0: {  	(pc) =	sbr.rel $0x88, $3  }
0x1: {  	(tag) =	ssettag $0x0;
	lr =	simm.s32 $0x1  }
0x2: {  	[smem:$0x3F9E] =	sst lr;
	_ =	strace $0xD0000000  }
0x3: {  	_ = 	snop  }
0x4: {  	_ = 	snop  }
0x5: {  	_ = 	snop  }
0x6: {  	_ = 	snop  }
0x7: {  	_ = 	snop  }
__scs_overlays_trampoline_lowered:
0x8: {  	[smem:$0x3FAD] =	sst s0  }
0x9: {  	[smem:$0x3FAE] =	sst s1  }
0xa: {  	[smem:$0x3FAF] =	sst s2  }
0xb: {  	[smem:$0x3FB0] =	sst s3  }
0xc: {  	[smem:$0x3FB1] =	sst s4  }
0xd: {  	[smem:$0x3FB2] =	sst s5  }
0xe: {  	[smem:$0x3FB3] =	sst s6  }
0xf: {  	[smem:$0x3FB4] =	sst s7  }
0x10: {  	[smem:$0x3FB5] =	sst s8  }
0x11: {  	[smem:$0x3FB6] =	sst s9;
	s0 =	simm.s32 @!p0 $0x0  }
0x12: {  	s1 =	sld [smem:$0x3F9C];
	s0 =	simm.s32 @p0 $0x1  }
0x13: {  	[smem:$0x3FB7] =	sst s0;
	s0 =	simm.s32 @!p1 $0x0  }
0x14: {  	s2 =	sld [smem:$0x3F9B];
	s0 =	simm.s32 @p1 $0x1  }
0x15: {  	[smem:$0x3FB8] =	sst s0;
	s0 =	simm.s32 @!p2 $0x0  }
0x16: {  	s3 =	sld [smem:$0x3FDB];
	s0 =	simm.s32 @p2 $0x1  }
0x17: {  	s4 =	simm.s32 $0x1BF5;
	[smem:$0x3FBA] =	sst s0  }
0x18: {  	s0 =	sld [smem:$0x3F9D];
	_ =	swait.ge [sflag:s4], $0x0  }
0x19: {  	s7 =	sld [smem:$0x3F9E]  }
0x1a: {  	s8 =	sadd.s32 $0xFFFFE003, lr  }
0x1b: {  	s9 =	sadd.s32 $0xFFFFFEF7, lr;
	s5 =	simm.s32 $0xFFFFFFFF;
	p2 =	slt.u32 s8, $0xFFFFF086  }
0x1c: {  	p1 =	slt.u32 s9, $0xF7A;
	s5 =	simm.s32 @!p2 $0x0  }
0x1d: {  	s5 =	simm.s32 @p1 $0x1;
	p0 =	seq.s32 s7, s2  }
0x1e: {  	s7 =	smul.u32 @!p0 $0xF7A, s2;
	p2 =	seq.s32 @!p0 s5, $0x0  }
0x1f: {  	s9 =	smul.u32 $0xF7A, s1;
	s8 =	simm.s32 @!p0 $0x1BF5;
	p2 =	por !p2, p0  }
0x20: {  	[sflag:s8] =	ssyncset.s32 @!p0 $0xFFFFF086;
	s6 =	sadd.s32 @!p0 s3, s7;
	s7 =	simm.s32 @!p0 $0x108  }
0x21: {  	s3 =	sadd.s32 s3, s9;
	s6 =	sadd.s32 @!p0 $0x88, s6;
	s7 =	simm.s32 @p2 $0x1082  }
0x22: {  	[simem:s7], [sflag:s8] =	dma.local @!p0 [hbm:s6], $0xF7A  }
0x23: {  	s9 =	sor.u32 $0xD0000000, s2;
	s6 =	simm.s32 $0x108;
	_ =	swait.ge @!p0 [sflag:s8], $0x0  }
0x24: {  	s3 =	sadd.s32 $0x88, s3;
	s6 =	simm.s32 @!p1 $0x1082;
	[sflag:s4] =	ssyncset.s32 $0xFFFFF086  }
0x25: {  	[simem:s6], [sflag:s4] =	dma.local [hbm:s3], $0xF7A  }
0x26: {  	[smem:$0x3F9E] =	sst s1;
	(tag) =	ssettag s2;
	_ =	strace s9  }
0x27: {  	s1 =	sld [smem:$0x3FAE]  }
0x28: {  	s2 =	sld [smem:$0x3FAF]  }
0x29: {  	s4 =	sld [smem:$0x3FB1]  }
0x2a: {  	p0 =	seq.s32 s5, $0x0;
	s5 =	sld [smem:$0x3FB2]  }
0x2b: {  	s6 =	sld [smem:$0x3FB3]  }
0x2c: {  	s7 =	sld [smem:$0x3FB4]  }
0x2d: {  	s3 =	simm.s32 $0x108;
	s8 =	sld [smem:$0x3FB5]  }
0x2e: {  	s3 =	simm.s32 @!p0 $0x1082;
	s9 =	sld [smem:$0x3FB6]  }
0x2f: {  	lr =	sadd.s32 s0, s3;
	s0 =	sld [smem:$0x3FAD]  }
0x30: {  	s3 =	sld [smem:$0x3FB0]  }
0x31: {  	[smem:$0x3FB9] =	sst s10  }
0x32: {  	s10 =	sld [smem:$0x3FB7];
	_ =	sdelay $0x3  }
0x33: {  	p0 =	seq.s32 s10, $0x1;
	s10 =	sld [smem:$0x3FB9];
	_ =	sdelay $0x3  }
0x34: {  	[smem:$0x3FB9] =	sst s10  }
0x35: {  	s10 =	sld [smem:$0x3FB8];
	_ =	sdelay $0x3  }
0x36: {  	p1 =	seq.s32 s10, $0x1;
	s10 =	sld [smem:$0x3FB9];
	_ =	sdelay $0x3  }
0x37: {  	[smem:$0x3FB9] =	sst s10  }
0x38: {  	s10 =	sld [smem:$0x3FBA]  }
0x39: {  	_ = 	snop;
	(pc) =	sbr.ind lr, $3  }
0x3a: {  	_ = 	snop  }
0x3b: {  	_ = 	snop  }
0x3c: {  	p2 =	seq.s32 s10, $0x1;
	s10 =	sld [smem:$0x3FB9]  }
0x3d: {  	_ =	shalt  }
0x3e: {  	_ =	shalt  }
0x3f: {  	_ =	shalt  }
0x40: {  	_ =	shalt  }
0x41: {  	_ =	shalt  }
0x42: {  	_ =	shalt  }
0x43: {  	_ =	shalt  }
0x44: {  	_ =	shalt  }
0x45: {  	_ =	shalt  }
0x46: {  	_ =	shalt  }
0x47: {  	_ =	shalt  }
0x48: {  	_ =	shalt  }
0x49: {  	_ =	shalt  }
0x4a: {  	_ =	shalt  }
0x4b: {  	_ =	shalt  }
0x4c: {  	_ =	shalt  }
0x4d: {  	_ =	shalt  }
0x4e: {  	_ =	shalt  }
0x4f: {  	_ =	shalt  }
0x50: {  	_ =	shalt  }
0x51: {  	_ =	shalt  }
0x52: {  	_ =	shalt  }
0x53: {  	_ =	shalt  }
0x54: {  	_ =	shalt  }
0x55: {  	_ =	shalt  }
0x56: {  	_ =	shalt  }
0x57: {  	_ =	shalt  }
0x58: {  	_ =	shalt  }
0x59: {  	_ =	shalt  }
0x5a: {  	_ =	shalt  }
0x5b: {  	_ =	shalt  }
0x5c: {  	_ =	shalt  }
0x5d: {  	_ =	shalt  }
0x5e: {  	_ =	shalt  }
0x5f: {  	_ =	shalt  }
0x60: {  	_ =	shalt  }
0x61: {  	_ =	shalt  }
0x62: {  	_ =	shalt  }
0x63: {  	_ =	shalt  }
0x64: {  	_ =	shalt  }
0x65: {  	_ =	shalt  }
0x66: {  	_ =	shalt  }
0x67: {  	_ =	shalt  }
0x68: {  	_ =	shalt  }
0x69: {  	_ =	shalt  }
0x6a: {  	_ =	shalt  }
0x6b: {  	_ =	shalt  }
0x6c: {  	_ =	shalt  }
0x6d: {  	_ =	shalt  }
0x6e: {  	_ =	shalt  }
0x6f: {  	_ =	shalt  }
0x70: {  	_ =	shalt  }
0x71: {  	_ =	shalt  }
0x72: {  	_ =	shalt  }
0x73: {  	_ =	shalt  }
0x74: {  	_ =	shalt  }
0x75: {  	_ =	shalt  }
0x76: {  	_ =	shalt  }
0x77: {  	_ =	shalt  }
0x78: {  	_ =	shalt  }
0x79: {  	_ =	shalt  }
0x7a: {  	_ =	shalt  }
0x7b: {  	_ =	shalt  }
0x7c: {  	_ =	shalt  }
0x7d: {  	_ =	shalt  }
0x7e: {  	_ =	shalt  }
0x7f: {  	_ =	shalt  }
0x80: {  	_ =	shalt  }
0x81: {  	_ =	shalt  }
0x82: {  	_ =	shalt  }
0x83: {  	_ =	shalt  }
0x84: {  	_ =	shalt  }
0x85: {  	_ =	shalt  }
0x86: {  	_ =	shalt  }
0x87: {  	_ =	shalt  }
.Lfunc_end0:
.L_simem_size_0:
called_computation.1_lowered:
.L_overlay_start_0:
0x88: {  	s2 =	sld [smem:$0x3FD9]  }
0x89: {  	s3 =	sld [smem:$0x3FFE];
	_ =	sdelay $0x1  }
0x8a: {  	s1 =	srdreg.scid  }
0x8b: {  	s0 =	sand.u32 $0x1, s1  }
0x8c: {  	s14 =	sshll.u32 s0, $0xA;
	s2 =	sadd.s32 s3, s2  }
0x8d: {  	s2 =	sadd.s32 s2, s14  }
0x8e: {  	[smem:$0x3FC5] =	sst s2  }
0x8f: {  	_ = 	snop  }
0x90: {  	s2 =	sld [smem:$0x3FD0];
	_ =	sdelay $0x2  }
0x91: {  	s15 =	simm.s32 $0xA;
	s4 =	simm.s32 $0x10  }
0x92: {  	[smem:s4], [sflag:s15] =	dma.local [hbm:s2], $0x1  }
0x93: {  	_ =	swait.eq [sflag:s15], $0x1  }
0x94: {  	[sflag:s15] =	ssyncset.done $0x0  }
0x95: {  	[sflag:s15] =	ssyncadd.s32 $0xFFFFFFFF  }
0x96: {  	s16 =	sld [smem:$0x10];
	(tm) =	ssettm $0x1  }
0x97: {  	s17 =	sld [smem:$0x3FFB];
	_ =	sdelay $0x3  }
0x98: {  	_ =	strace s17  }
0x99: {  	s3 =	sld [smem:$0x3FFC];
	_ =	sdelay $0x3  }
0x9a: {  	_ =	strace s3  }
0x9b: {  	s3 =	sld [smem:$0x3FFD];
	_ =	sdelay $0x3  }
0x9c: {  	_ =	strace s3  }
0x9d: {  	_ =	strace $0x8FFFFFFF  }
0x9e: {  	s18 =	sld [smem:$0x3FDB];
	_ =	sdelay $0x1  }
0x9f: {  	s19 =	simm.s32 $_scs_section_size  }
0xa0: {  	s5 =	simm.s32 $_size__tile_overlayer_lowered;
	s6 =	simm.s32 $_tile_overlayer_lowered  }
0xa1: {  	s22 =	simm.s32 $0x1BFF;
	s21 =	sshll.u32 s6, $0x1;
	s3 =	sadd.s32 s19, s18  }
0xa2: {  	s7 =	simm.s32 $0x0;
	s20 =	sshll.u32 s5, $0x1;
	s5 =	sadd.s32 s21, s3  }
0xa3: {  	[timem:s7], [sflag:s22] =	dma.local [hbm:s5], s20  }
0xa4: {  	_ =	swait.ge [sflag:s22], s20  }
0xa5: {  	s4 =	ssub.s32 $0x0, s20;
	[sflag:s22] =	ssyncset.done $0x0  }
0xa6: {  	[sflag:s22] =	ssyncadd.s32 s4;
	_ =	sdelay $0x1  }
0xa7: {  	s23 =	simm.s32 $0x1B8B  }
0xa8: {  	_ =	swait.ge [sflag:s23], $0x1  }
0xa9: {  	[sflag:s23] =	ssyncset.done $0x0  }
0xaa: {  	s25 =	simm.s32 $0x1B8E;
	s24 =	sld [smem:$0x3FFE];
	[sflag:s23] =	ssyncadd.s32 $0xFFFFFFFF  }
0xab: {  	s26 =	simm.s32 $execute0_lowered;
	[smem:$0x3FD2] =	sst s25  }
0xac: {  	s5 =	sshll.u32 s26, $0x1;
	_ =	strace $0x80000046;
	[dreg:$0x1] =	wrdreg $0xFFFFFFFF  }
0xad: {  	s28 =	simm.s32 $_size_execute0_lowered;
	s3 =	sadd.s32 s3, s5;
	[dreg:$0x0] =	wrdreg $0x0  }
0xae: {  	s5 =	sshll.u32 s28, $0x1;
	[dreg:$0x2] =	wrdreg s3  }
0xaf: {  	[dreg:$0x3] =	wrdreg s5  }
0xb0: {  	[dreg:$0x4] =	wrdreg $0xC0  }
0xb1: {  	_ =	task [dreg:s7], $0x5FFFF  }
0xb2: {  	[dreg:$0x1] =	wrdreg $0xFFFFFFFF  }
0xb3: {  	[dreg:$0x0] =	wrdreg $0x60  }
0xb4: {  	[dreg:$0x2] =	wrdreg s24  }
0xb5: {  	[dreg:$0x3] =	wrdreg s16  }
0xb6: {  	[dreg:$0x4] =	wrdreg $0x9  }
0xb7: {  	_ =	task.clear_ibuf [dreg:s7], $0x5FFFF;
	_ =	strace $0x90000046  }
0xb8: {  	s29 =	simm.s32 $0x9;
	_ =	strace $0x80000048  }
0xb9: {  	_ =	swait.ge [sflag:s29], $0x1  }
0xba: {  	[sflag:s29] =	ssyncadd.s32 $0xFFFFFFFF  }
0xbb: {  	_ =	strace $0x90000048  }
0xbc: {  	_ =	sfence  }
0xbd: {  	s30 =	sld [smem:$0x0];
	_ =	sdelay $0x2  }
0xbe: {  	s31 =	sshll.u32 s1, $0xD;
	s1 =	sshrl.u32 s1, $0x2  }
0xbf: {  	s3 =	sand.u32 $0x4000, s31;
	s1 =	sadd.s32 s1, s30  }
0xc0: {  	s0 =	sor.u32 s3, s0;
	s1 =	sshll.u32 s1, $0x11  }
0xc1: {  	s0 =	sor.u32 s1, s0  }
0xc2: {  	s0 =	sadd.s32 $0x8F2B, s0  }
0xc3: {  	[sflag:s0] =	ssyncadd.remote.s32 $0x1  }
0xc4: {  	_ =	sfence.sel $0xFFFF  }
0xc5: {  	[dreg:$0x0] =	wrdreg $0xFFFFFFFF;
	(pc) =	sbr.abs _section_cstart, $3  }
0xc6: {  	[dreg:$0x1] =	wrdreg $0xFFFFFFFF  }
0xc7: {  	_ =	task.clear_ibuf [dreg:s7], $0x2FFFF;
	_ =	strace $0x9FFFFFFF  }
0xc8: {  	(tm) =	ssettm $0x7FFFFFFF  }
0xc9: {  	_ =	shalt  }
tec
execute0_lowered:
.L_overlay_start_1:
0x0: {  	(tag) =	ssettag $0x1  }
0x1: {  	s1 =	srdreg.scid;
	s5 =	rddreg [dreg:$0x0]  }
0x2: {  	s0 =	stileid.u32;
	s8 =	rddreg [dreg:$0x1];
	s2 =	simm.s32 $0x0  }
0x3: {  	s14 =	simm.s32 $0xE20;
	s15 =	simm.s32 $0x32;
	s16 =	simm.s32 $0x1208  }
0x4: {  	s17 =	simm.s32 $0x38;
	s18 =	simm.s32 $0xD558;
	s19 =	simm.s32 $0x1  }
0x5: {  	s20 =	simm.s32 $0x2;
	s21 =	simm.s32 $0x3;
	s22 =	simm.s32 $0x4  }
0x6: {  	s23 =	simm.s32 $0x198A8;
	s24 =	simm.s32 $0x0;
	s6 =	sand.u32 $0x1, s1  }
0x7: {  	s29 =	sshll.u32 s0, $0x1;
	s1 =	rddreg [dreg:$0x2];
	s12 =	smul.u32 $0x61A80, s0  }
0x8: {  	[smem:$0x7FF] =	sst s2;
	s4 =	sor.u32 s6, s29;
	s13 =	smul.u32 $0x30D40, s6  }
0x9: {  	_ =	strace $0x80000047;
	s10 =	ssub.s32 $0x2, s6;
	s3 =	smul.u32 $0xE0, s4  }
0xa: {  	s9 =	sshll.u32 s4, $0x1;
	s11 =	smul.u32 $0x186A00, s4;
	s4 =	sadd.s32 $0xE00, s5  }
0xb: {  	s30 =	sshrl.u32 s10, $0x1;
	s12 =	sadd.s32 s12, s8;
	s9 =	sadd.s32 s9, s5  }
0xc: {  	s10 =	ssub.s32 s10, s30;
	s31 =	sadd.s32 s13, s12;
	s12 =	simm.s32 $0x5  }
0xd: {  	v0 =	vlaneseq.u32;
	s13 =	simm.s32 $0x710;
	s7 =	sadd.s32 s3, s5;
	s3 =	sadd.s32 $0x1000, s5  }
0xe: {  	v0 =	vmul.u32 $0x3E8, v0;
	s11 =	sshrl.u32 s11, $0x3;
	s9 =	sadd.s32 $0x23200, s9;
	s10 =	smax.u32 s10, $0x1  }
0xf: {  	v3 =	vimm.s32 $0xBF68;
	vm1 =	vcmask $0x300;
	vm0 =	vmmov $0x3;
	s5 =	sadd.s32 $0x1FA00, s7;
	s11 =	sadd.s32 s8, s11;
	s6 =	sadd.s32 $0x21600, s7  }
0x10: {  	v3 =	vsel vm1, $0xBB80, v3;
	v1 =	vadd.s32 $0x3E80, v0;
	v2 =	vadd.s32 $0x7D00, v0;
	s7 =	sadd.s32 $0x2DC6C, s11;
	s8 =	sadd.s32 $0x2F4D6, s11;
	s11 =	sadd.s32 $0x186A, s31  }
.LBB2_1:
0x11: {  	[tilespmem:s2], [sflag:$0x5] =	stream.linear.gather [hbm4b:s5+s2], $0x700, $0x38;
	[tilespmem:$0x198B8] =	vst v63  }
0x12: {  	_ =	swait.ge [sflag:s12], $0x700  }
0x13: {  	[sflag:s12] =	ssyncset.done $0x0  }
0x14: {  	[sflag:s12] =	ssyncadd.s32 $0xFFFFF900  }
0x15: {  	[tilespmem:s13], [sflag:$0x5] =	stream.linear.gather [hbm4b:s6+s2], $0x700, $0x38;
	[tilespmem:$0x198B8] =	vst v63  }
0x16: {  	_ =	swait.ge [sflag:s12], $0x700  }
0x17: {  	[sflag:s12] =	ssyncset.done $0x0  }
0x18: {  	[sflag:s12] =	ssyncadd.s32 $0xFFFFF900  }
0x19: {  	[tilespmem:s14], [sflag:$0x5] =	stream.linear.gather [hbm4b:s4+s2], $0x3E8, $0x38;
	[tilespmem:$0x198B8] =	vst v63  }
0x1a: {  	_ =	swait.ge [sflag:s12], $0x3E8  }
0x1b: {  	[sflag:s12] =	ssyncset.done $0x0  }
0x1c: {  	[sflag:s12] =	ssyncadd.s32 $0xFFFFFC18  }
0x1d: {  	[tilespmem:s16], [sflag:$0x1] =	stream.indirect.gather [hbm4b:s3+s15], $0x3E8, s2, s15, $0xb8;
	[tilespmem:$0x198B8] =	vst v63  }
0x1e: {  	_ = 	snop  }
0x1f: {  	[tilespmem:s18], [sflag:$0x2] =	stream.indirect.gather [hbm4b:s3+s15], $0x3E8, s17, s15, $0xb8;
	[tilespmem:$0x198B8] =	vst v63  }
0x20: {  	_ =	swait.ge [sflag:s19], $0xC350  }
0x21: {  	[sflag:s19] =	ssyncset.done $0x0  }
0x22: {  	s26 =	sadd.s32 $0xFFFFE796, s11;
	s25 =	simm.s32 $0x0;
	[sflag:s19] =	ssyncadd.s32 $0xFFFF3CB0  }
0x23: {  	[hbm4b:s26+s2] =	stream.linear.scatter [tilespmem:s16], [sflag:$0x3], $0xC350, $0x38;
	[tilespmem:$0x198B8] =	vst v63  }
0x24: {  	v4 =	vld [tilespmem:s25+$0x30]  }
0x25: {  	v5 =	vld [tilespmem:s25+$0x740]  }
0x26: {  	v6 =	vld [tilespmem:s25+$0x0]  }
0x27: {  	v7 =	vld [tilespmem:s25+$0x10]  }
0x28: {  	v8 =	vld [tilespmem:s25+$0x20]  }
0x29: {  	v10 =	vld [tilespmem:s25+$0x710];
	_ =	sdelay $0x1  }
0x2a: {  	v9 =	vld [tilespmem:s25+$0x730]  }
0x2b: {  	v11 =	vld [tilespmem:s25+$0x720]  }
0x2c: {  	v4 =	vnsel vm0, $0x0, v4  }
0x2d: {  	v5 =	vnsel vm0, $0x0, v5;
	v10 =	vadd.s32 v0, v10  }
0x2e: {  	v5 =	vadd.s32 v3, v5;
	v6 =	vld.idx.msk [tilespmem:v6+s14+$0x0], $0xffff  }
0x2f: {  	v9 =	vadd.s32 v2, v9;
	v12 =	vld.idx.msk [tilespmem:v8+s14+$0x0], $0xffff  }
0x30: {  	v11 =	vadd.s32 v1, v11;
	v7 =	vld.idx.msk [tilespmem:v7+s14+$0x0], $0xffff  }
0x31: {  	v4 =	vld.idx.msk [tilespmem:v4+s14+$0x0], $0xffff  }
0x32: {  	v8 =	vld.idx.msk [tilespmem:v10+s16+$0x0], $0xffff  }
0x33: {  	v13 =	vld.idx.msk [tilespmem:v5+s16+$0x0], $0xffff  }
0x34: {  	v5 =	vld.idx.msk [tilespmem:v9+s16+$0x0], $0xffff  }
0x35: {  	v9 =	vld.idx.msk [tilespmem:v11+s16+$0x0], $0xffff;
	_ =	swait.ge [sflag:s20], $0xC350  }
0x36: {  	[sflag:s20] =	ssyncset.done $0x0  }
0x37: {  	[sflag:s20] =	ssyncadd.s32 $0xFFFF3CB0  }
0x38: {  	[hbm4b:s11+s2] =	stream.linear.scatter [tilespmem:s18], [sflag:$0x4], $0xC350, $0x38;
	[tilespmem:$0x198B8] =	vst v63  }
0x39: {  	v10 =	vld [tilespmem:s25+$0x748]  }
0x3a: {  	v14 =	vld [tilespmem:s25+$0x38]  }
0x3b: {  	v11 =	vld [tilespmem:s25+$0x768]  }
0x3c: {  	v16 =	vld [tilespmem:s25+$0x48]  }
0x3d: {  	v15 =	vld [tilespmem:s25+$0x68]  }
0x3e: {  	v17 =	vld [tilespmem:s25+$0x778];
	v6 =	vsub.f32 v6, v8  }
0x3f: {  	v19 =	vld [tilespmem:s25+$0x758];
	v8 =	vimm.f32 $0.0e+00  }
0x40: {  	v7 =	vsub.f32 v7, v9;
	v6 =	vadd.f32 v6, v8;
	v10 =	vadd.s32 v0, v10  }
0x41: {  	v18 =	vadd.s32 v2, v11  }
0x42: {  	v9 =	vsub.f32 v12, v5;
	v7 =	vadd.f32 v7, v6;
	v15 =	vnsel vm0, $0x0, v15;
	v11 =	vld [tilespmem:s25+$0x58]  }
0x43: {  	v4 =	vsub.f32 v4, v13;
	v8 =	vld.idx.msk [tilespmem:v14+s14+$0x0], $0xffff  }
0x44: {  	v12 =	vnsel vm0, $0x0, v17;
	v13 =	vadd.s32 v1, v19;
	v7 =	vadd.f32 v9, v7;
	v9 =	vld.idx.msk [tilespmem:v16+s14+$0x0], $0xffff  }
0x45: {  	v12 =	vadd.s32 v3, v12;
	v10 =	vld.idx.msk [tilespmem:v10+s18+$0x0], $0xffff  }
0x46: {  	v5 =	vld.idx.msk [tilespmem:v18+s18+$0x0], $0xffff  }
0x47: {  	s28 =	smov.u32 s11;
	s26 =	simm.s32 $0x1C0;
	v6 =	vld.idx.msk [tilespmem:v15+s14+$0x0], $0xffff  }
.LBB2_2:
0x48: {  	p0 =	sne.s32 s26, $0x1880  }
0x49: {  	v13 =	vld.idx.msk [tilespmem:v13+s18+$0x0], $0xffff;
	s28 =	sadd.s32 $0x30D4, s28;
	s29 =	smov.u32 s26;
	s26 =	sadd.s32 $0x1C0, s26  }
0x4a: {  	v8 =	vsub.f32 v8, v10;
	v10 =	vld.idx.msk [tilespmem:v12+s18+$0x0], $0xffff  }
0x4b: {  	v11 =	vld.idx.msk [tilespmem:v11+s14+$0x0], $0xffff  }
0x4c: {  	_ =	swait.ge [sflag:s21], $0xC350  }
0x4d: {  	v4 =	vnsel vm0, $0x0, v4;
	[sflag:s21] =	ssyncset.done $0x0  }
0x4e: {  	s30 =	sadd.s32 $0x70, s25;
	v4 =	vadd.f32 v4, v7;
	[sflag:s21] =	ssyncadd.s32 $0xFFFF3CB0  }
0x4f: {  	[tilespmem:s16], [sflag:$0x1] =	stream.indirect.gather [hbm4b:s3+s15], $0x3E8, s30, s15, $0xb8;
	[tilespmem:$0x198B8] =	vst v63  }
0x50: {  	v4 =	vadd.f32 v8, v4;
	v7 =	vsub.f32 v9, v13;
	_ =	swait.ge [sflag:s22], $0xC350  }
0x51: {  	v6 =	vsub.f32 v6, v10;
	v5 =	vsub.f32 v11, v5;
	[sflag:s22] =	ssyncset.done $0x0  }
0x52: {  	s25 =	sadd.s32 $0xA8, s25;
	v4 =	vadd.f32 v7, v4;
	[sflag:s22] =	ssyncadd.s32 $0xFFFF3CB0  }
0x53: {  	[tilespmem:s18], [sflag:$0x2] =	stream.indirect.gather [hbm4b:s3+s15], $0x3E8, s25, s15, $0xb8;
	[tilespmem:$0x198B8] =	vst v63  }
0x54: {  	v4 =	vadd.f32 v5, v4  }
0x55: {  	v5 =	vnsel vm0, $0x0, v6;
	_ =	swait.ge [sflag:s19], $0xC350  }
0x56: {  	v5 =	vadd.f32 v5, v4;
	[sflag:s19] =	ssyncset.done $0x0  }
0x57: {  	s30 =	sadd.s32 $0xFFFFE796, s28;
	s25 =	sshra.s32 s29, $0x2;
	[sflag:s19] =	ssyncadd.s32 $0xFFFF3CB0  }
0x58: {  	[hbm4b:s30+s2] =	stream.linear.scatter [tilespmem:s16], [sflag:$0x3], $0xC350, $0x38;
	[tilespmem:$0x198B8] =	vst v63  }
0x59: {  	v4 =	vld [tilespmem:s25+$0x30]  }
0x5a: {  	v6 =	vld [tilespmem:s25+$0x740]  }
0x5b: {  	v7 =	vld [tilespmem:s25+$0x0]  }
0x5c: {  	v8 =	vld [tilespmem:s25+$0x10]  }
0x5d: {  	v9 =	vld [tilespmem:s25+$0x20]  }
0x5e: {  	v10 =	vld [tilespmem:s25+$0x730]  }
0x5f: {  	v4 =	vnsel vm0, $0x0, v4;
	v11 =	vld [tilespmem:s25+$0x710];
	v6 =	vnsel vm0, $0x0, v6  }
0x60: {  	v12 =	vld [tilespmem:s25+$0x720];
	_ =	sdelay $0x1  }
0x61: {  	v6 =	vadd.s32 v3, v6  }
0x62: {  	v7 =	vld.idx.msk [tilespmem:v7+s14+$0x0], $0xffff;
	v10 =	vadd.s32 v2, v10  }
0x63: {  	v11 =	vadd.s32 v0, v11;
	v4 =	vld.idx.msk [tilespmem:v4+s14+$0x0], $0xffff  }
0x64: {  	v12 =	vadd.s32 v1, v12;
	v9 =	vld.idx.msk [tilespmem:v9+s14+$0x0], $0xffff  }
0x65: {  	v8 =	vld.idx.msk [tilespmem:v8+s14+$0x0], $0xffff  }
0x66: {  	v6 =	vld.idx.msk [tilespmem:v6+s16+$0x0], $0xffff  }
0x67: {  	v10 =	vld.idx.msk [tilespmem:v10+s16+$0x0], $0xffff  }
0x68: {  	v11 =	vld.idx.msk [tilespmem:v11+s16+$0x0], $0xffff  }
0x69: {  	v12 =	vld.idx.msk [tilespmem:v12+s16+$0x0], $0xffff  }
0x6a: {  	_ =	swait.ge [sflag:s20], $0xC350  }
0x6b: {  	[sflag:s20] =	ssyncset.done $0x0  }
0x6c: {  	v4 =	vsub.f32 v4, v6;
	[sflag:s20] =	ssyncadd.s32 $0xFFFF3CB0  }
0x6d: {  	v6 =	vsub.f32 v9, v10;
	[hbm4b:s28+s2] =	stream.linear.scatter [tilespmem:s18], [sflag:$0x4], $0xC350, $0x38;
	[tilespmem:$0x198B8] =	vst v63  }
0x6e: {  	v7 =	vsub.f32 v7, v11;
	v9 =	vld [tilespmem:s25+$0x748]  }
0x6f: {  	v8 =	vsub.f32 v8, v12;
	v10 =	vld [tilespmem:s25+$0x38]  }
0x70: {  	v5 =	vadd.f32 v7, v5;
	v12 =	vld [tilespmem:s25+$0x768]  }
0x71: {  	v13 =	vld [tilespmem:s25+$0x68]  }
0x72: {  	v5 =	vadd.f32 v8, v5;
	v14 =	vld [tilespmem:s25+$0x778]  }
0x73: {  	v9 =	vadd.s32 v0, v9;
	v15 =	vld [tilespmem:s25+$0x758]  }
0x74: {  	v7 =	vadd.f32 v6, v5;
	v16 =	vld [tilespmem:s25+$0x48]  }
0x75: {  	v11 =	vld [tilespmem:s25+$0x58];
	v5 =	vadd.s32 v2, v12  }
0x76: {  	v6 =	vnsel vm0, $0x0, v13  }
0x77: {  	v8 =	vld.idx.msk [tilespmem:v10+s14+$0x0], $0xffff;
	v12 =	vnsel vm0, $0x0, v14  }
.Ltmp0:
0x78: {  	v10 =	vld.idx.msk [tilespmem:v9+s18+$0x0], $0xffff;
	v13 =	vadd.s32 v1, v15;
	v12 =	vadd.s32 v3, v12;
	(pc) =	sbr.rel @p0 .LBB2_2-.Ltmp0, $4  }
0x79: {  	_ = 	snop  }
0x7a: {  	v5 =	vld.idx.msk [tilespmem:v5+s18+$0x0], $0xffff  }
0x7b: {  	v6 =	vld.idx.msk [tilespmem:v6+s14+$0x0], $0xffff  }
0x7c: {  	v9 =	vld.idx.msk [tilespmem:v16+s14+$0x0], $0xffff  }
0x7d: {  	_ =	sdelay $0x3  }
0x7e: {  	v13 =	vld.idx.msk [tilespmem:v13+s18+$0x0], $0xffff  }
0x7f: {  	v12 =	vld.idx.msk [tilespmem:v12+s18+$0x0], $0xffff  }
0x80: {  	v11 =	vld.idx.msk [tilespmem:v11+s14+$0x0], $0xffff;
	_ =	swait.ge [sflag:s21], $0xC350  }
0x81: {  	[sflag:s21] =	ssyncset.done $0x0  }
0x82: {  	s26 =	sadd.s32 $0x70, s25;
	[sflag:s21] =	ssyncadd.s32 $0xFFFF3CB0  }
0x83: {  	[tilespmem:s16], [sflag:$0x1] =	stream.indirect.gather [hbm4b:s3+s15], $0x3E8, s26, s15, $0xb8;
	[tilespmem:$0x198B8] =	vst v63  }
0x84: {  	_ =	swait.ge [sflag:s22], $0xC350  }
0x85: {  	[sflag:s22] =	ssyncset.done $0x0  }
0x86: {  	s31 =	sadd.s32 $0xA8, s25;
	[sflag:s22] =	ssyncadd.s32 $0xFFFF3CB0  }
0x87: {  	[tilespmem:s18], [sflag:$0x2] =	stream.indirect.gather [hbm4b:s3+s15], $0x3E8, s31, s15, $0xb8;
	[tilespmem:$0x198B8] =	vst v63  }
0x88: {  	_ =	swait.ge [sflag:s19], $0xC350  }
0x89: {  	[sflag:s19] =	ssyncset.done $0x0  }
0x8a: {  	[sflag:s19] =	ssyncadd.s32 $0xFFFF3CB0  }
0x8b: {  	[hbm4b:s7+s2] =	stream.linear.scatter [tilespmem:s16], [sflag:$0x3], $0xC350, $0x38;
	[tilespmem:$0x198B8] =	vst v63  }
0x8c: {  	v14 =	vld [tilespmem:$0x690]  }
0x8d: {  	v15 =	vld [tilespmem:$0xDA0]  }
0x8e: {  	v16 =	vld [tilespmem:$0x6A0]  }
0x8f: {  	v17 =	vld [tilespmem:$0xDB0]  }
0x90: {  	v18 =	vld [tilespmem:$0x6B0]  }
0x91: {  	v19 =	vld [tilespmem:$0xDC0]  }
0x92: {  	v20 =	vld [tilespmem:$0x6C0]  }
0x93: {  	v21 =	vld [tilespmem:$0xDD0];
	_ =	sdelay $0x1  }
0x94: {  	v15 =	vadd.s32 v0, v15  }
0x95: {  	v17 =	vadd.s32 v1, v17  }
0x96: {  	v19 =	vadd.s32 v2, v19;
	v14 =	vld.idx.msk [tilespmem:v14+s14+$0x0], $0xffff  }
0x97: {  	v20 =	vnsel vm0, $0x0, v20;
	v21 =	vnsel vm0, $0x0, v21;
	v16 =	vld.idx.msk [tilespmem:v16+s14+$0x0], $0xffff  }
0x98: {  	v21 =	vadd.s32 v3, v21;
	v18 =	vld.idx.msk [tilespmem:v18+s14+$0x0], $0xffff  }
0x99: {  	v15 =	vld.idx.msk [tilespmem:v15+s16+$0x0], $0xffff  }
0x9a: {  	v17 =	vld.idx.msk [tilespmem:v17+s16+$0x0], $0xffff  }
0x9b: {  	v19 =	vld.idx.msk [tilespmem:v19+s16+$0x0], $0xffff  }
0x9c: {  	v20 =	vld.idx.msk [tilespmem:v20+s14+$0x0], $0xffff  }
0x9d: {  	v21 =	vld.idx.msk [tilespmem:v21+s16+$0x0], $0xffff;
	_ =	swait.ge [sflag:s20], $0xC350  }
0x9e: {  	[sflag:s20] =	ssyncset.done $0x0  }
0x9f: {  	[sflag:s20] =	ssyncadd.s32 $0xFFFF3CB0  }
0xa0: {  	[hbm4b:s8+s2] =	stream.linear.scatter [tilespmem:s18], [sflag:$0x4], $0xC350, $0x38;
	[tilespmem:$0x198B8] =	vst v63  }
0xa1: {  	v22 =	vld [tilespmem:$0x6C8]  }
0xa2: {  	v4 =	vnsel vm0, $0x0, v4;
	v49 =	vld [tilespmem:$0xDD8]  }
0xa3: {  	v8 =	vsub.f32 v8, v10;
	v4 =	vadd.f32 v4, v7;
	v50 =	vld [tilespmem:$0x6D8]  }
0xa4: {  	v52 =	vld [tilespmem:$0xDE8]  }
0xa5: {  	v4 =	vadd.f32 v8, v4;
	v51 =	vsub.f32 v9, v13;
	v53 =	vld [tilespmem:$0x6E8]  }
0xa6: {  	v54 =	vld [tilespmem:$0xDF8]  }
0xa7: {  	v5 =	vsub.f32 v11, v5;
	v4 =	vadd.f32 v51, v4;
	v55 =	vld [tilespmem:$0x6F8]  }
0xa8: {  	v6 =	vsub.f32 v6, v12;
	v56 =	vld [tilespmem:$0xE08]  }
0xa9: {  	v4 =	vadd.f32 v5, v4;
	v5 =	vadd.s32 v0, v49  }
0xaa: {  	v6 =	vnsel vm0, $0x0, v6  }
0xab: {  	v4 =	vadd.f32 v6, v4;
	v57 =	vsub.f32 v14, v15;
	v9 =	vadd.s32 v1, v52  }
0xac: {  	v59 =	vsub.f32 v16, v17;
	v8 =	vadd.s32 v2, v54;
	v58 =	vld.idx.msk [tilespmem:v22+s14+$0x0], $0xffff  }
0xad: {  	v4 =	vadd.f32 v57, v4;
	v11 =	vnsel vm0, $0x0, v55;
	v7 =	vnsel vm0, $0x0, v56;
	v10 =	vld.idx.msk [tilespmem:v50+s14+$0x0], $0xffff  }
0xae: {  	v7 =	vadd.s32 v3, v7;
	v5 =	vld.idx.msk [tilespmem:v5+s18+$0x0], $0xffff  }
0xaf: {  	v60 =	vsub.f32 v18, v19;
	v4 =	vadd.f32 v59, v4;
	v13 =	vld.idx.msk [tilespmem:v53+s14+$0x0], $0xffff  }
0xb0: {  	v61 =	vsub.f32 v20, v21;
	v9 =	vld.idx.msk [tilespmem:v9+s18+$0x0], $0xffff  }
0xb1: {  	v4 =	vadd.f32 v60, v4;
	v8 =	vld.idx.msk [tilespmem:v8+s18+$0x0], $0xffff  }
0xb2: {  	v62 =	vnsel vm0, $0x0, v61;
	v11 =	vld.idx.msk [tilespmem:v11+s14+$0x0], $0xffff  }
0xb3: {  	v4 =	vadd.f32 v62, v4;
	v63 =	vld.idx.msk [tilespmem:v7+s18+$0x0], $0xffff;
	v5 =	vsub.f32 v58, v5;
	_ =	sdelay $0x1  }
0xb4: {  	v4 =	vadd.f32 v5, v4;
	v5 =	vsub.f32 v10, v9;
	_ =	sdelay $0x1  }
0xb5: {  	_ =	swait.ge [sflag:s21], $0xC350;
	v4 =	vadd.f32 v5, v4;
	v5 =	vsub.f32 v13, v8  }
0xb6: {  	[sflag:s21] =	ssyncset.done $0x0;
	v6 =	vsub.f32 v11, v63  }
0xb7: {  	[sflag:s21] =	ssyncadd.s32 $0xFFFF3CB0;
	v4 =	vadd.f32 v5, v4  }
0xb8: {  	_ =	swait.ge [sflag:s22], $0xC350;
	v5 =	vnsel vm0, $0x0, v6  }
0xb9: {  	s24 =	sadd.s32 $0x1, s24;
	[sflag:s22] =	ssyncset.done $0x0;
	v4 =	vadd.f32 v5, v4  }
0xba: {  	p0 =	sne.s32 s24, s10;
	[sflag:s22] =	ssyncadd.s32 $0xFFFF3CB0  }
.Ltmp1:
0xbb: {  	[tilespmem:$0x198A8] =	vst v4;
	(pc) =	sbr.rel @p0 .LBB2_1-.Ltmp1, $4  }
0xbc: {  	[hbm4b:s9+s2] =	stream.linear.scatter [tilespmem:s23], [sflag:$0x5], $0x10, $0x38;
	[tilespmem:$0x198B8] =	vst v63  }
0xbd: {  	_ =	swait.ge [sflag:s12], $0x10  }
0xbe: {  	[sflag:s12] =	ssyncset.done $0x0  }
0xbf: {  	[sflag:s12] =	ssyncadd.s32 $0xFFFFFFF0  }
0xc0: {  	_ =	sfence.sel $0x180000  }
0xc1: {  	[bflag:$0x0] =	sbarrier.arrive $0xFFFF  }
0xc2: {  	p0 =	sne.s32 s0, $0x0;
	_ =	strace $0x90000047  }
0xc3: {  	s0 =	sadd.s32 @!p0 $0x100000, s1;
	[bflag:$0x2] =	sbarrier.arrive $0xFFFF  }
0xc4: {  	[sflag:s0] =	ssyncadd.tile.s32 @!p0 $0x1;
	_ =	shalt  }
.Lfunc_end2:
_tile_overlayer_lowered:
.L_overlay_start_2:
0xc5: {  	(tag) =	ssettag $0x2  }
0xc6: {  	s0 =	rddreg [dreg:$0x0];
	s2 =	stileid.u32  }
0xc7: {  	s1 =	rddreg [dreg:$0x1];
	p0 =	sne.s32 s2, $0x0  }
0xc8: {  	s3 =	rddreg [dreg:$0x2];
	[bflag:$0x3] =	sbarrier.arrive $0xFFFF;
	s2 =	simm.s32 @!p0 $0x1C05  }
0xc9: {  	[timem:s3], [sflag:s2] =	dma.local @!p0 [hbm:s0], s1  }
0xca: {  	s0 =	simm.s32 @!p0 $0x5  }
0xcb: {  	_ =	swait.ge @!p0 [sflag:s0], s1  }
0xcc: {  	s1 =	ssub.s32 @!p0 $0x0, s1;
	[sflag:s0] =	ssyncset.done @!p0 $0x0  }
0xcd: {  	[sflag:s0] =	ssyncadd.s32 @!p0 s1  }
0xce: {  	[bflag:$0x3] =	sbarrier.arrive $0xFFFF  }
0xcf: {  	_ =	shalt  }

// kernel: sparse-core-data-format-call.cloned.1.call-start
scs
called_computation_lowered:
.L_overlay_start_0:
0x0: {  	s2 =	sld [smem:$0x3FD9]  }
0x1: {  	s3 =	sld [smem:$0x3FFE];
	_ =	sdelay $0x1  }
0x2: {  	s1 =	srdreg.scid  }
0x3: {  	s0 =	sand.u32 $0x1, s1  }
0x4: {  	s15 =	sshll.u32 s0, $0xA;
	s2 =	sadd.s32 s3, s2  }
0x5: {  	s2 =	sadd.s32 s2, s15  }
0x6: {  	[smem:$0x3FC5] =	sst s2  }
0x7: {  	_ = 	snop  }
0x8: {  	s2 =	sld [smem:$0x3FD0];
	_ =	sdelay $0x2  }
0x9: {  	s16 =	simm.s32 $0xA;
	s4 =	simm.s32 $0x10  }
0xa: {  	[smem:s4], [sflag:s16] =	dma.local [hbm:s2], $0x1  }
0xb: {  	_ =	swait.eq [sflag:s16], $0x1  }
0xc: {  	[sflag:s16] =	ssyncset.done $0x0  }
0xd: {  	[sflag:s16] =	ssyncadd.s32 $0xFFFFFFFF  }
0xe: {  	s17 =	sld [smem:$0x10];
	(tm) =	ssettm $0x1  }
0xf: {  	s18 =	sld [smem:$0x3FFB];
	_ =	sdelay $0x3  }
0x10: {  	_ =	strace s18  }
0x11: {  	s3 =	sld [smem:$0x3FFC];
	_ =	sdelay $0x3  }
0x12: {  	_ =	strace s3  }
0x13: {  	s3 =	sld [smem:$0x3FFD];
	_ =	sdelay $0x3  }
0x14: {  	_ =	strace s3  }
0x15: {  	_ =	strace $0x8FFFFFFF  }
0x16: {  	s19 =	sld [smem:$0x3FDB];
	_ =	sdelay $0x1  }
0x17: {  	s20 =	simm.s32 $_scs_section_size  }
0x18: {  	s5 =	simm.s32 $_size__tile_overlayer_lowered;
	s6 =	simm.s32 $_tile_overlayer_lowered  }
0x19: {  	s23 =	simm.s32 $0x1BFF;
	s22 =	sshll.u32 s6, $0x1;
	s3 =	sadd.s32 s20, s19  }
0x1a: {  	s7 =	simm.s32 $0x0;
	s21 =	sshll.u32 s5, $0x1;
	s5 =	sadd.s32 s22, s3  }
0x1b: {  	[timem:s7], [sflag:s23] =	dma.local [hbm:s5], s21  }
0x1c: {  	_ =	swait.ge [sflag:s23], s21  }
0x1d: {  	s4 =	ssub.s32 $0x0, s21;
	[sflag:s23] =	ssyncset.done $0x0  }
0x1e: {  	[sflag:s23] =	ssyncadd.s32 s4;
	_ =	sdelay $0x1  }
0x1f: {  	s24 =	simm.s32 $0x1B8B  }
0x20: {  	_ =	swait.ge [sflag:s24], $0x1  }
0x21: {  	[sflag:s24] =	ssyncset.done $0x0  }
0x22: {  	s26 =	simm.s32 $0x1B8E;
	s25 =	sld [smem:$0x3FFE];
	[sflag:s24] =	ssyncadd.s32 $0xFFFFFFFF  }
0x23: {  	s27 =	simm.s32 $execute0_lowered;
	[smem:$0x3FD2] =	sst s26  }
0x24: {  	s5 =	sshll.u32 s27, $0x1;
	_ =	strace $0x80000049;
	[dreg:$0x1] =	wrdreg $0xFFFFFFFF  }
0x25: {  	s28 =	simm.s32 $_size_execute0_lowered;
	s3 =	sadd.s32 s3, s5;
	[dreg:$0x0] =	wrdreg $0x0  }
0x26: {  	s5 =	sshll.u32 s28, $0x1;
	[dreg:$0x2] =	wrdreg s3  }
0x27: {  	[dreg:$0x3] =	wrdreg s5  }
0x28: {  	[dreg:$0x4] =	wrdreg $0xC0  }
0x29: {  	_ =	task [dreg:s7], $0x5FFFF  }
0x2a: {  	[dreg:$0x1] =	wrdreg $0xFFFFFFFF  }
0x2b: {  	[dreg:$0x0] =	wrdreg $0x60  }
0x2c: {  	[dreg:$0x2] =	wrdreg s25  }
0x2d: {  	[dreg:$0x3] =	wrdreg s17  }
0x2e: {  	[dreg:$0x4] =	wrdreg $0x9  }
0x2f: {  	_ =	task.clear_ibuf [dreg:s7], $0x5FFFF;
	_ =	strace $0x90000049  }
0x30: {  	s29 =	simm.s32 $0x9;
	_ =	strace $0x8000004B  }
0x31: {  	_ =	swait.ge [sflag:s29], $0x1  }
0x32: {  	[sflag:s29] =	ssyncadd.s32 $0xFFFFFFFF  }
0x33: {  	_ =	strace $0x9000004B  }
0x34: {  	_ =	sfence  }
0x35: {  	s30 =	sld [smem:$0x0];
	_ =	sdelay $0x2  }
0x36: {  	s31 =	sshll.u32 s1, $0xD;
	s1 =	sshrl.u32 s1, $0x2  }
0x37: {  	s3 =	sand.u32 $0x4000, s31;
	s1 =	sadd.s32 s1, s30  }
0x38: {  	s0 =	sor.u32 s3, s0;
	s1 =	sshll.u32 s1, $0x11  }
0x39: {  	s0 =	sor.u32 s1, s0  }
0x3a: {  	s0 =	sadd.s32 $0x8F2B, s0  }
0x3b: {  	[sflag:s0] =	ssyncadd.remote.s32 $0x1  }
0x3c: {  	_ =	sfence.sel $0xFFFF  }
0x3d: {  	[dreg:$0x0] =	wrdreg $0xFFFFFFFF;
	(pc) =	sbr.abs _section_cstart, $3  }
0x3e: {  	[dreg:$0x1] =	wrdreg $0xFFFFFFFF  }
0x3f: {  	_ =	task.clear_ibuf [dreg:s7], $0x2FFFF;
	_ =	strace $0x9FFFFFFF  }
0x40: {  	(tm) =	ssettm $0x7FFFFFFF  }
0x41: {  	_ =	shalt  }
tec
execute0_lowered:
.L_overlay_start_1:
0x0: {  	(tag) =	ssettag $0x1  }
0x1: {  	s4 =	rddreg [dreg:$0x0]  }
0x2: {  	s0 =	stileid.u32;
	s2 =	rddreg [dreg:$0x1]  }
0x3: {  	s7 =	srdreg.scid;
	s31 =	simm.s32 $0x2;
	s17 =	simm.s32 $0x0  }
0x4: {  	s9 =	simm.s32 $0x2000;
	s19 =	simm.s32 $0x0;
	s18 =	simm.s32 $0x0  }
0x5: {  	s10 =	simm.s32 $0x0;
	s11 =	simm.s32 $0x0;
	s1 =	sshll.u32 s0, $0x7  }
0x6: {  	s12 =	simm.s32 $0x0;
	s14 =	simm.s32 $0x0;
	s3 =	sand.u32 $0x380, s1  }
0x7: {  	s16 =	simm.s32 $0x0;
	s4 =	sadd.s32 $0x23400, s4;
	s5 =	ssub.s32 $0x400, s3  }
0x8: {  	s8 =	sshll.u32 s0, $0x4;
	s7 =	sshll.u32 s7, $0x8;
	s6 =	sand.u32 $0x380, s5  }
0x9: {  	s1 =	rddreg [dreg:$0x2];
	p0 =	sne.s32 s6, $0x0;
	s6 =	simm.s32 $0x1  }
.Ltmp0:
0xa: {  	s5 =	sshrl.u32 s5, $0xA;
	s6 =	simm.s32 @!p0 $0x0;
	(pc) =	sbr.rel .LBB1_1-.Ltmp0, $4  }
0xb: {  	_ =	strace $0x8000004A;
	s7 =	sor.u32 s8, s7;
	s6 =	sadd.s32 s6, s5  }
0xc: {  	s7 =	sand.u32 $0x180, s7;
	s5 =	simm.s32 $0x1;
	s6 =	smul.u32 $0x64, s6  }
0xd: {  	s15 =	smov.u32 s3;
	s13 =	smov.u32 s7;
	[sflag:s5] =	ssyncpa.u1 $0x0  }
0xe: {  	p0 =	por $0x0, $0x0;
	[sflag:s31] =	ssyncpa.u1 $0x0;
	s8 =	sor.u32 $0x1, s6  }
.LBB1_4:
0xf: {  	s25 =	sshll.u32 s10, $0xA;
	s24 =	sshra.s32 s24, $0x2;
	s26 =	sshll.u32 s12, $0x3  }
0x10: {  	p1 =	sgt.s32 s11, $0x31;
	s27 =	smov.u32 s11;
	s28 =	sshra.s32 s11, $0x1F  }
0x11: {  	p2 =	sgt.s32 s12, $0x380;
	s31 =	sshra.s32 s12, $0x1F;
	s25 =	sand.u32 $0xFFFFE000, s25  }
0x12: {  	s26 =	sand.u32 $0xFFFFFC00, s26;
	s27 =	simm.s32 @!p1 $0x31;
	s28 =	sand.u32 s28, s11  }
0x13: {  	[tilespmem:s22+$0x2040 ss:$0x81] =	vst.msk $0xffff, v4;
	s23 =	sadd.s32 s24, s23;
	s29 =	sadd.s32 s26, s25;
	s25 =	ssub.s32 s27, s28  }
0x14: {  	[tilespmem:s22+$0x2850 ss:$0x81] =	vst.msk $0xffff, v3;
	s27 =	smov.u32 s12;
	s28 =	smov.u32 s10;
	s26 =	sand.u32 s31, s12  }
0x15: {  	[tilespmem:s22+$0x3060 ss:$0x81] =	vst.msk $0xffff, v2;
	s24 =	sshrl.u32 s29, $0xA;
	s30 =	sadd.s32 $0xFFFFFFCF, s25;
	s27 =	simm.s32 @!p2 $0x380  }
0x16: {  	v5 =	vld [tilespmem:s21+$0xFFFFFFD0];
	[tilespmem:s22+$0x0 ss:$0x81] =	vst.msk $0xffff, v1;
	p2 =	sgt.s32 s10, $0x368;
	s29 =	sshra.s32 s10, $0x1F;
	s22 =	ssub.s32 $0x32, s25  }
0x17: {  	v58 =	vld [tilespmem:s21+$0xFFFFFFE0];
	p1 =	sgt.s32 s30, $0x0;
	s28 =	simm.s32 @!p2 $0x368;
	s29 =	sand.u32 s29, s10  }
0x18: {  	v59 =	vld [tilespmem:s21+$0xFFFFFFF0];
	s26 =	ssub.s32 s27, s26;
	s27 =	smulhi.u32 $0x418938, s24;
	s28 =	ssub.s32 s28, s29  }
0x19: {  	v60 =	vld [tilespmem:s21+$0x0];
	s30 =	sadd.s32 $0xFFFFFC80, s26;
	s25 =	ssub.s32 $0x400, s26;
	s22 =	simm.s32 @p1 $0x0  }
0x1a: {  	v61 =	vld [tilespmem:s21+$0x10];
	[tilespmem:s23+$0x3870 ss:$0x81] =	vst.msk $0xffff, v0;
	s29 =	sand.u32 $0x78, s12;
	p2 =	sgt.s32 s30, $0x7F;
	s31 =	sadd.s32 $0xFFFFFC98, s28  }
0x1b: {  	v62 =	vld [tilespmem:s21+$0x20];
	[tilespmem:s23+$0x810 ss:$0x81] =	vst.msk $0xffff, v5;
	s27 =	smul.u32 $0x3E8, s27;
	s30 =	sshll.u32 s10, $0x7;
	s28 =	ssub.s32 $0x3E8, s28  }
0x1c: {  	v63 =	vld [tilespmem:s21+$0xFFFFFFC0];
	[tilespmem:s23+$0x1020 ss:$0x81] =	vst.msk $0xffff, v58;
	s25 =	simm.s32 @p2 $0x0;
	p1 =	sgt.s32 s31, $0x7F;
	s31 =	smul.u32 $0x1F400, s11  }
0x1d: {  	[tilespmem:s23+$0x1830 ss:$0x81] =	vst.msk $0xffff, v59;
	s21 =	sand.u32 $0x380, s30;
	s22 =	smul.u32 s25, s22;
	s28 =	simm.s32 @p1 $0x0  }
0x1e: {  	[tilespmem:s23+$0x2040 ss:$0x81] =	vst.msk $0xffff, v60;
	s21 =	sor.u32 s29, s21;
	s24 =	ssub.s32 s24, s27;
	s29 =	sand.u32 $0x7, s12  }
0x1f: {  	[tilespmem:s23+$0x2850 ss:$0x81] =	vst.msk $0xffff, v61;
	s21 =	sshrl.u32 s21, $0x3;
	s25 =	sadd.s32 s2, s31;
	s22 =	smul.u32 s28, s22  }
0x20: {  	[tilespmem:s23+$0x3060 ss:$0x81] =	vst.msk $0xffff, v62;
	s24 =	sshll.u32 s24, $0x7;
	s30 =	sshll.u32 s29, $0x12;
	s21 =	sadd.s32 s21, s25  }
0x21: {  	[tilespmem:s23+$0x0 ss:$0x81] =	vst.msk $0xffff, v63;
	s31 =	sor.u32 $0x400, s30;
	s21 =	sadd.s32 s24, s21;
	s22 =	sand.u32 $0x3FFFFFFF, s22  }
0x22: {  	[hbm4b:s21+s31] =	stream.strided.scatter [tilespmem:s20], [sflag:$0x2], s22, s9, s31, $0x20;
	[tilespmem:$0x10100] =	vst v63  }
.LBB1_5:
0x23: {  	p1 =	slt.u32 s16, $0x2  }
0x24: {  	p2 =	sgt.s32 @!p1 s19, $0x31  }
0x25: {  	s20 =	smov.u32 s19;
	s21 =	sshra.s32 @!p1 s19, $0x1F;
	p2 =	por !p2, p1  }
0x26: {  	s19 =	sand.u32 @!p1 s21, s19;
	s20 =	simm.s32 @p2 $0x31  }
0x27: {  	p3 =	sgt.s32 @!p1 s17, $0x368;
	s19 =	ssub.s32 @!p1 s20, s19  }
0x28: {  	p4 =	sgt.s32 @!p1 s18, $0x380;
	s22 =	sshra.s32 @!p1 s18, $0x1F;
	s20 =	sadd.s32 @!p1 $0xFFFFFFCF, s19  }
0x29: {  	s21 =	smov.u32 s17;
	p2 =	sgt.s32 @!p1 s20, $0x0;
	s20 =	sshra.s32 @!p1 s17, $0x1F  }
0x2a: {  	p4 =	por !p4, p1;
	s17 =	sand.u32 @!p1 s20, s17;
	s20 =	smov.u32 s18  }
0x2b: {  	p3 =	por !p3, p1;
	s18 =	sand.u32 @!p1 s22, s18;
	s20 =	simm.s32 @p4 $0x380  }
0x2c: {  	s21 =	simm.s32 @p3 $0x368;
	s19 =	ssub.s32 @!p1 $0x32, s19;
	s18 =	ssub.s32 @!p1 s20, s18  }
0x2d: {  	p2 =	por !p2, p1;
	s17 =	ssub.s32 @!p1 s21, s17;
	s21 =	sadd.s32 @!p1 $0xFFFFFC80, s18  }
0x2e: {  	s19 =	simm.s32 @!p2 $0x0;
	p3 =	sgt.s32 @!p1 s21, $0x7F  }
0x2f: {  	s20 =	sadd.s32 @!p1 $0xFFFFFC98, s17;
	s18 =	ssub.s32 @!p1 $0x400, s18;
	p3 =	por !p3, p1  }
0x30: {  	p2 =	sgt.s32 @!p1 s20, $0x7F;
	s20 =	sadd.s32 $0x200, s13;
	s18 =	simm.s32 @!p3 $0x0  }
0x31: {  	p3 =	sgt.s32 s20, $0x3E7;
	s18 =	smul.u32 @!p1 s18, s19;
	s19 =	simm.s32 $0x1  }
0x32: {  	s17 =	ssub.s32 @!p1 $0x3E8, s17;
	p2 =	por !p2, p1;
	s19 =	simm.s32 @!p3 $0x0  }
0x33: {  	s22 =	smov.u32 s15;
	s17 =	simm.s32 @!p2 $0x0;
	s21 =	sadd.s32 s19, s14  }
0x34: {  	s17 =	smul.u32 @!p1 s17, s18;
	s18 =	sadd.s32 $0x400, s15;
	p2 =	sgt.s32 s21, $0x31  }
0x35: {  	p0 =	por !p0, !p0;
	s23 =	simm.s32 @!p1 $0x2;
	s22 =	smov.u32 @p2 s18  }
0x36: {  	s20 =	smov.u32 @p3 s7;
	s21 =	simm.s32 @p2 $0x0;
	p2 =	sgt.s32 s22, $0x3FF  }
0x37: {  	s19 =	smov.u32 s11;
	s22 =	smov.u32 @p2 s3;
	p2 =	sne.s32 s16, s8  }
.Ltmp1:
0x38: {  	s11 =	smov.u32 s14;
	s17 =	sand.u32 @!p1 $0x3FFFFFFF, s17;
	(pc) =	sbr.rel @!p2 .LBB1_6-.Ltmp1, $4  }
0x39: {  	s18 =	smov.u32 s12;
	s12 =	smov.u32 s15;
	_ =	swait.ge @!p1 [sflag:s23], s17  }
0x3a: {  	s24 =	ssub.s32 @!p1 $0x0, s17;
	s17 =	smov.u32 s10;
	s10 =	smov.u32 s13  }
0x3b: {  	s13 =	smov.u32 s20;
	s14 =	smov.u32 s21;
	[sflag:s23] =	ssyncset.done @!p1 $0x0  }
0x3c: {  	s16 =	sadd.s32 $0x1, s16;
	[sflag:s23] =	ssyncadd.s32 @!p1 s24;
	s15 =	smov.u32 s22  }
.LBB1_1:
0x3d: {  	p1 =	sge.u32 s16, s6  }
0x3e: {  	s20 =	sshll.u32 @!p1 s14, $0xA  }
0x3f: {  	s21 =	sshll.u32 @!p1 s13, $0x3;
	s20 =	sand.u32 @!p1 $0xFFFFE000, s20  }
0x40: {  	s20 =	sadd.s32 @!p1 s20, s21  }
0x41: {  	s20 =	sshrl.u32 @!p1 s20, $0xA  }
0x42: {  	s21 =	smulhi.u32 @!p1 $0x4924925, s20  }
0x43: {  	s22 =	sshll.u32 @!p1 s14, $0x7;
	s24 =	smul.u32 @!p1 $0x1C00, s15  }
0x44: {  	s23 =	sand.u32 @!p1 $0x78, s13;
	s22 =	sand.u32 @!p1 $0x380, s22;
	s21 =	smul.u32 @!p1 $0x38, s21  }
0x45: {  	s31 =	sadd.s32 $0xFFFFFFFF, s16;
	s22 =	sor.u32 @!p1 s23, s22;
	s23 =	sadd.s32 @!p1 s4, s24  }
0x46: {  	s22 =	sshrl.u32 @!p1 s22, $0x3;
	s20 =	ssub.s32 @!p1 s20, s21;
	s21 =	sxor.u32 @!p1 $0xFFFFFFFF, s16  }
0x47: {  	s22 =	sadd.s32 @!p1 s22, s23;
	s23 =	sand.u32 @!p1 $0x7, s13;
	s21 =	sshll.u32 @!p1 s21, $0xE  }
0x48: {  	s23 =	sshll.u32 @!p1 s23, $0x12;
	s20 =	sshll.u32 @!p1 s20, $0x7;
	s21 =	sand.u32 @!p1 $0x4000, s21  }
0x49: {  	s20 =	sadd.s32 @!p1 s20, s22;
	s22 =	sor.u32 @!p1 $0x80, s23;
	s23 =	simm.s32 @!p1 $0xE000  }
0x4a: {  	[tilespmem:s21], [sflag:$0x1] =	stream.strided.gather @!p1 [hbm4b:s20+s22], $0x4000, s23, s22, $0x38;
	[tilespmem:$0x10100] =	vst v63  }
0x4b: {  	p1 =	sge.u32 s31, s6  }
.Ltmp2:
0x4c: {  	_ = 	snop;
	(pc) =	sbr.rel @p1 .LBB1_5-.Ltmp2, $1  }
0x4d: {  	_ =	sdelay $0x3  }
0x4e: {  	s20 =	simm.s32 $0x1  }
0x4f: {  	_ =	swait.ge [sflag:s5], $0x4000;
	s20 =	simm.s32 @!p0 $0x0  }
0x50: {  	[sflag:s5] =	ssyncset.done $0x0;
	s21 =	sshll.u32 s20, $0xE  }
0x51: {  	[sflag:s5] =	ssyncadd.s32 $0xFFFFC000;
	s21 =	sor.u32 $0x40, s21  }
0x52: {  	s20 =	smul.u32 $0x10200, s20;
	v0 =	vld [tilespmem:s21+$0x30]  }
0x53: {  	v1 =	vld [tilespmem:s21+$0xFFFFFFD0]  }
0x54: {  	s20 =	sshrl.u32 s20, $0x2;
	v5 =	vld [tilespmem:s21+$0xFFFFFFE0]  }
0x55: {  	v6 =	vld [tilespmem:s21+$0xFFFFFFF0];
	s23 =	sor.u32 $0x8000, s20  }
0x56: {  	s31 =	sand.u32 $0x1, s16;
	v4 =	vld [tilespmem:s21+$0x0];
	s22 =	sadd.s32 $0x0, s23  }
0x57: {  	v3 =	vld [tilespmem:s21+$0x10];
	s20 =	smul.u32 $0x10200, s31;
	[tilespmem:s22+$0x3870 ss:$0x81] =	vst.msk $0xffff, v0  }
0x58: {  	v2 =	vld [tilespmem:s21+$0x20];
	[tilespmem:s22+$0x810 ss:$0x81] =	vst.msk $0xffff, v1  }
0x59: {  	s20 =	sshrl.u32 s20, $0x2;
	v1 =	vld [tilespmem:s21+$0xFFFFFFC0];
	[tilespmem:s22+$0x1020 ss:$0x81] =	vst.msk $0xffff, v5;
	s21 =	sadd.s32 $0x80, s21  }
0x5a: {  	s24 =	simm.s32 $0x4;
	s25 =	simm.s32 $0x8;
	s20 =	sor.u32 $0x8000, s20;
	[tilespmem:s22+$0x1830 ss:$0x81] =	vst.msk $0xffff, v6;
	v0 =	vld [tilespmem:s21+$0x30]  }
.LBB1_3:
0x5b: {  	p1 =	sne.s32 s25, $0x1FC;
	v5 =	vld [tilespmem:s21+$0xFFFFFFD0];
	[tilespmem:s22+$0x2040 ss:$0x81] =	vst.msk $0xffff, v4  }
0x5c: {  	v6 =	vld [tilespmem:s21+$0xFFFFFFE0];
	[tilespmem:s22+$0x2850 ss:$0x81] =	vst.msk $0xffff, v3  }
0x5d: {  	s26 =	sshra.s32 s24, $0x2;
	s24 =	smov.u32 s25;
	v7 =	vld [tilespmem:s21+$0xFFFFFFF0];
	[tilespmem:s22+$0x3060 ss:$0x81] =	vst.msk $0xffff, v2  }
.Ltmp3:
0x5e: {  	v4 =	vld [tilespmem:s21+$0x0];
	[tilespmem:s22+$0x0 ss:$0x81] =	vst.msk $0xffff, v1;
	s22 =	sadd.s32 s26, s23;
	(pc) =	sbr.rel @p1 .LBB1_3-.Ltmp3, $4  }
0x5f: {  	v3 =	vld [tilespmem:s21+$0x10];
	[tilespmem:s22+$0x3870 ss:$0x81] =	vst.msk $0xffff, v0  }
0x60: {  	[tilespmem:s22+$0x810 ss:$0x81] =	vst.msk $0xffff, v5;
	v2 =	vld [tilespmem:s21+$0x20]  }
0x61: {  	v1 =	vld [tilespmem:s21+$0xFFFFFFC0];
	[tilespmem:s22+$0x1020 ss:$0x81] =	vst.msk $0xffff, v6;
	s21 =	sadd.s32 $0x80, s21  }
0x62: {  	s25 =	sadd.s32 $0x4, s25;
	v0 =	vld [tilespmem:s21+$0x30];
	[tilespmem:s22+$0x1830 ss:$0x81] =	vst.msk $0xffff, v7  }
.Ltmp4:
0x63: {  	_ = 	snop;
	(pc) =	sbr.rel .LBB1_4-.Ltmp4, $1  }
0x64: {  	_ =	sdelay $0x3  }
.LBB1_6:
0x65: {  	_ =	sfence.sel $0x180000  }
0x66: {  	s2 =	simm.s32 $0x1;
	[bflag:$0x0] =	sbarrier.arrive $0xFFFF  }
0x67: {  	s31 =	simm.s32 $0x2;
	[sflag:s2] =	ssyncpa.u1 $0x1  }
0x68: {  	[sflag:s31] =	ssyncpa.u1 $0x1  }
0x69: {  	p0 =	sne.s32 s0, $0x0;
	_ =	strace $0x9000004A  }
0x6a: {  	s0 =	sadd.s32 @!p0 $0x100000, s1;
	[bflag:$0x2] =	sbarrier.arrive $0xFFFF  }
0x6b: {  	[sflag:s0] =	ssyncadd.tile.s32 @!p0 $0x1;
	_ =	shalt  }
.Lfunc_end1:
_tile_overlayer_lowered:
.L_overlay_start_2:
0x6c: {  	(tag) =	ssettag $0x2  }
0x6d: {  	s0 =	rddreg [dreg:$0x0];
	s2 =	stileid.u32  }
0x6e: {  	s1 =	rddreg [dreg:$0x1];
	p0 =	sne.s32 s2, $0x0  }
0x6f: {  	s3 =	rddreg [dreg:$0x2];
	[bflag:$0x3] =	sbarrier.arrive $0xFFFF;
	s2 =	simm.s32 @!p0 $0x1C01  }
0x70: {  	[timem:s3], [sflag:s2] =	dma.local @!p0 [hbm:s0], s1  }
0x71: {  	s0 =	simm.s32 @!p0 $0x1  }
0x72: {  	_ =	swait.ge @!p0 [sflag:s0], s1  }
0x73: {  	s1 =	ssub.s32 @!p0 $0x0, s1;
	[sflag:s0] =	ssyncset.done @!p0 $0x0  }
0x74: {  	[sflag:s0] =	ssyncadd.s32 @!p0 s1  }
0x75: {  	[bflag:$0x3] =	sbarrier.arrive $0xFFFF  }
0x76: {  	_ =	shalt  }

</sc_bundles>
